<compile_context>
chip_gen: v7x
topology: tpu7x:2x2x1
jax: 0.10.2.dev20260603
libtpu: 0.0.44.dev20260713+nightly
codegen_flags: <defaults>
</compile_context>

<pallas_src>
import jax
import jax.numpy as jnp
from jax import lax
from jax.experimental import pallas as pl
from jax.experimental.pallas import tpu as pltpu
from jax.experimental.pallas import tpu_sc as plsc

N_NODES = 10000
N_EDGES = 320000
D_IN = 128
D_OUT = 5

_L = 16
_NC = 2
_NS = 16
_NW = _NC * _NS
_CH = 128
_ER = N_EDGES // _CH
_SF = _ER // _NW
_XR = _ER - _SF * _NW
_S = _SF + 1
_NPAD = 10240
_ZR = _NPAD // _NS
_CNT_COL = 5


_BM = 2000


def _proj_body(x_ref, wcat_ref, bl_ref, y_ref, z_ref):
    xv = x_ref[...]
    dn = (((1,), (1,)), ((), ()))
    y10 = jax.lax.dot_general(xv, wcat_ref[...], dn,
                              preferred_element_type=jnp.float32)
    ones = jnp.ones((_BM, 1), jnp.float32)
    zeros10 = jnp.zeros((_BM, _L - D_OUT - 1), jnp.float32)
    zeros11 = jnp.zeros((_BM, _L - D_OUT), jnp.float32)
    y_ref[...] = jnp.concatenate([y10[:, 0:D_OUT], ones, zeros10], axis=1)
    z_ref[...] = jnp.concatenate([y10[:, D_OUT:2 * D_OUT] + bl_ref[...], zeros11],
                                 axis=1)


def _sc_body(y_hbm, ev_hbm, out_hbm, srcv, dstv, rows, ysh, acc,
             gs0, gs1, ss0, ss1, is0, is1):
    c = lax.axis_index("c")
    s = lax.axis_index("s")
    wid = c * _NS + s

    pltpu.async_copy(ev_hbm.at[0, pl.ds(wid * _SF, _SF)],
                     srcv.at[pl.ds(0, _SF)], is0)
    pltpu.async_copy(ev_hbm.at[1, pl.ds(wid * _SF, _SF)],
                     dstv.at[pl.ds(0, _SF)], is1)

    nk = _ZR // _CH

    def ychunk(k):
        return pl.ds(s * _ZR + k * _CH, _CH)

    pltpu.async_copy(y_hbm.at[ychunk(0)], rows.at[0], ss0)
    for k in range(nk):
        b = k & 1
        if k + 1 < nk:
            if k >= 1:
                pltpu.make_async_copy(rows.at[1 - b], ysh.at[ychunk(k - 1)],
                                      (gs0, gs1)[1 - b]).wait()
            pltpu.async_copy(y_hbm.at[ychunk(k + 1)], rows.at[1 - b],
                             (ss0, ss1)[1 - b])
        pltpu.make_async_copy(y_hbm.at[ychunk(k)], rows.at[b],
                              (ss0, ss1)[b]).wait()
        pltpu.async_copy(rows.at[b], ysh.at[ychunk(k)], (gs0, gs1)[b])
    pltpu.make_async_copy(rows.at[(nk - 1) & 1], ysh.at[ychunk(nk - 1)],
                          (gs0, gs1)[(nk - 1) & 1]).wait()
    pltpu.make_async_copy(rows.at[(nk - 2) & 1], ysh.at[ychunk(nk - 2)],
                          (gs0, gs1)[(nk - 2) & 1]).wait()

    pltpu.make_async_copy(ev_hbm.at[0, pl.ds(wid * _SF, _SF)],
                          srcv.at[pl.ds(0, _SF)], is0).wait()
    pltpu.make_async_copy(ev_hbm.at[1, pl.ds(wid * _SF, _SF)],
                          dstv.at[pl.ds(0, _SF)], is1).wait()

    @pl.when(wid < _XR)
    def _():
        pltpu.sync_copy(ev_hbm.at[0, pl.ds(_SF * _NW + wid, 1)],
                        srcv.at[pl.ds(_SF, 1)])
        pltpu.sync_copy(ev_hbm.at[1, pl.ds(_SF * _NW + wid, 1)],
                        dstv.at[pl.ds(_SF, 1)])

    zero16 = jnp.zeros((_L,), jnp.float32)

    def zrow(i, carry):
        rows[0, i, :] = zero16
        return carry

    lax.fori_loop(0, _CH, zrow, 0)

    def zcopy(k, carry):
        pltpu.sync_copy(rows.at[0], acc.at[pl.ds(s * _ZR + k * _CH, _CH)])
        return carry

    lax.fori_loop(0, _ZR // _CH, zcopy, 0)

    plsc.subcore_barrier()

    pltpu.async_copy(ysh.at[srcv.at[0]], rows.at[0], gs0)
    pltpu.async_copy(ysh.at[srcv.at[1]], rows.at[1], gs1)

    def pstep(t, carry):
        j0 = 2 * t
        pltpu.make_async_copy(ysh.at[srcv.at[j0]], rows.at[0], gs0).wait()
        pltpu.async_copy(rows.at[0], acc.at[dstv.at[j0]], ss0, add=True)
        pltpu.make_async_copy(ysh.at[srcv.at[j0 + 1]], rows.at[1], gs1).wait()
        pltpu.async_copy(rows.at[1], acc.at[dstv.at[j0 + 1]], ss1, add=True)

        @pl.when(t + 1 < _SF // 2)
        def _():
            pltpu.make_async_copy(rows.at[0], acc.at[dstv.at[j0]], ss0).wait()
            pltpu.async_copy(ysh.at[srcv.at[j0 + 2]], rows.at[0], gs0)
            pltpu.make_async_copy(rows.at[1], acc.at[dstv.at[j0 + 1]], ss1).wait()
            pltpu.async_copy(ysh.at[srcv.at[j0 + 3]], rows.at[1], gs1)

        return carry

    lax.fori_loop(0, _SF // 2, pstep, 0)
    pltpu.make_async_copy(rows.at[0], acc.at[dstv.at[_SF - 2]], ss0).wait()
    pltpu.make_async_copy(rows.at[1], acc.at[dstv.at[_SF - 1]], ss1).wait()

    @pl.when(wid < _XR)
    def _():
        pltpu.async_copy(ysh.at[srcv.at[_SF]], rows.at[0], gs0).wait()
        pltpu.sync_copy(rows.at[0], acc.at[dstv.at[_SF]], add=True)

    plsc.subcore_barrier()

    def ostage(k, carry):
        pltpu.sync_copy(acc.at[pl.ds(s * _ZR + k * _CH, _CH)], rows.at[0])
        pltpu.sync_copy(rows.at[0], out_hbm.at[c, pl.ds(s * _ZR + k * _CH, _CH)])
        return carry

    lax.fori_loop(0, _ZR // _CH, ostage, 0)


def _final_body(agg_ref, z_ref, o_ref):
    a = agg_ref[0] + agg_ref[1]
    cnt = jnp.maximum(a[:, _CNT_COL:_CNT_COL + 1], 1.0)
    o_ref[...] = (a / cnt + z_ref[...])[:, :D_OUT]


@jax.jit
def kernel(x, edge_index, W_l, b_l, W_r):
    ev = edge_index.astype(jnp.int32).reshape(2, _ER, _CH)
    wcat = jnp.concatenate([W_l, W_r], axis=0)

    y16, z16 = pl.pallas_call(
        _proj_body,
        grid=(N_NODES // _BM,),
        in_specs=[
            pl.BlockSpec((_BM, D_IN), lambda i: (i, 0)),
            pl.BlockSpec((2 * D_OUT, D_IN), lambda i: (0, 0)),
            pl.BlockSpec((D_OUT,), lambda i: (0,)),
        ],
        out_specs=[
            pl.BlockSpec((_BM, _L), lambda i: (i, 0)),
            pl.BlockSpec((_BM, _L), lambda i: (i, 0)),
        ],
        out_shape=[
            jax.ShapeDtypeStruct((_NPAD, _L), jnp.float32),
            jax.ShapeDtypeStruct((_NPAD, _L), jnp.float32),
        ],
    )(x, wcat, b_l)

    sc_fn = pl.kernel(
        _sc_body,
        out_type=jax.ShapeDtypeStruct((_NC, _NPAD, _L), jnp.float32),
        mesh=plsc.VectorSubcoreMesh(
            core_axis_name="c", subcore_axis_name="s",
            num_cores=_NC, num_subcores=_NS,
        ),
        compiler_params=pltpu.CompilerParams(use_tc_tiling_on_sc=False),
        scratch_types=[
            pltpu.VMEM((_S, _CH), jnp.int32),
            pltpu.VMEM((_S, _CH), jnp.int32),
            pltpu.VMEM((2, _CH, _L), jnp.float32),
            pltpu.VMEM_SHARED((_NPAD, _L), jnp.float32),
            pltpu.VMEM_SHARED((_NPAD, _L), jnp.float32),
            pltpu.SemaphoreType.DMA,
            pltpu.SemaphoreType.DMA,
            pltpu.SemaphoreType.DMA,
            pltpu.SemaphoreType.DMA,
            pltpu.SemaphoreType.DMA,
            pltpu.SemaphoreType.DMA,
        ],
    )
    agg2 = sc_fn(y16, ev)

    out = pl.pallas_call(
        _final_body,
        grid=(N_NODES // _BM,),
        in_specs=[
            pl.BlockSpec((_NC, _BM, _L), lambda i: (0, i, 0)),
            pl.BlockSpec((_BM, _L), lambda i: (i, 0)),
        ],
        out_specs=pl.BlockSpec((_BM, D_OUT), lambda i: (i, 0)),
        out_shape=jax.ShapeDtypeStruct((N_NODES, D_OUT), jnp.float32),
    )(agg2, z16)

    return out

# --- scband reference (transcript-rebuilt; emitter-appended) ---
"""Pipeline reference for scband-gcn-60301340836134 (READ-ONLY COPY).

The authoritative reference and input builder live on the scoring server;
editing this copy changes nothing except your own understanding.
"""

import jax, jax.numpy as jnp
import numpy as np

N_NODES = 10000
N_EDGES = 320000
D_IN = 128
D_OUT = 5

def setup_inputs(seed: int = 0) -> dict:
    key = jax.random.key(seed)
    k1, k2, k3, k4, k5 = jax.random.split(key, 5)
    x = jax.random.normal(k1, (N_NODES, D_IN), dtype=jnp.float32)
    edge_index = jax.random.randint(k2, (2, N_EDGES), 0, N_NODES, dtype=jnp.int64)
    # SAGEConv params: lin_l (neighbor aggregation, with bias), lin_r (root, no bias)
    scale = 1.0 / np.sqrt(D_IN)
    W_l = jax.random.uniform(k3, (D_OUT, D_IN), dtype=jnp.float32, minval=-scale, maxval=scale)
    b_l = jax.random.uniform(k4, (D_OUT,), dtype=jnp.float32, minval=-scale, maxval=scale)
    W_r = jax.random.uniform(k5, (D_OUT, D_IN), dtype=jnp.float32, minval=-scale, maxval=scale)
    return {"x": x, "edge_index": edge_index, "W_l": W_l, "b_l": b_l, "W_r": W_r}

def reference(x, edge_index, W_l, b_l, W_r):
    # SAGEConv with default mean aggregation:
    # out = lin_l(mean_{j in N(i)} x_j) + lin_r(x_i)
    src = edge_index[0]
    dst = edge_index[1]
    msgs = jnp.take(x, src, axis=0)                       # gather source features [E, D_IN]
    agg = jax.ops.segment_sum(msgs, dst, num_segments=N_NODES)   # scatter-add by dst
    cnt = jax.ops.segment_sum(jnp.ones((edge_index.shape[1],), dtype=x.dtype), dst, num_segments=N_NODES)
    mean = agg / jnp.clip(cnt, 1.0, None)[:, None]
    out = mean @ W_l.T + b_l + x @ W_r.T
    return out

if __name__ == "__main__":
    import jax
    _d = setup_inputs()
    print(jax.jit(kernel)(*tuple(_d.values())))

</pallas_src>

<mosaic_0001>
#map = affine_map<(d0, d1) -> (0, 0)>
#map1 = affine_map<(d0, d1) -> (0, 0, 0)>
module attributes {stable_mosaic.version = 14 : i64} {
  func.func @_sc_body(%arg0: i32, %arg1: i32, %arg2: memref<10240x16xf32, #tpu.memory_space<hbm>>, %arg3: memref<2x2500x128xi32, #tpu.memory_space<hbm>>, %arg4: memref<2x10240x16xf32, #tpu.memory_space<hbm>>, %arg5: memref<79x128xi32, #tpu.memory_space<vmem>>, %arg6: memref<79x128xi32, #tpu.memory_space<vmem>>, %arg7: memref<2x128x16xf32, #tpu.memory_space<vmem>>, %arg8: memref<10240x16xf32, #tpu.memory_space<vmem_shared>>, %arg9: memref<10240x16xf32, #tpu.memory_space<vmem_shared>>, %arg10: memref<!tpu.dma_semaphore, #tpu.memory_space<semaphore_mem>>, %arg11: memref<!tpu.dma_semaphore, #tpu.memory_space<semaphore_mem>>, %arg12: memref<!tpu.dma_semaphore, #tpu.memory_space<semaphore_mem>>, %arg13: memref<!tpu.dma_semaphore, #tpu.memory_space<semaphore_mem>>, %arg14: memref<!tpu.dma_semaphore, #tpu.memory_space<semaphore_mem>>, %arg15: memref<!tpu.dma_semaphore, #tpu.memory_space<semaphore_mem>>) attributes {dimension_semantics = [#tpu.dimension_semantics<core_parallel>, #tpu.dimension_semantics<subcore_parallel>], iteration_bounds = array<i64: 2, 16>, scalar_prefetch = 0 : i64, scratch_operands = 11 : i64, tpu.core_type = #tpu.core_type<sc_vector_subcore>, window_params = [{transform_indices = #map}, {transform_indices = #map1}, {transform_indices = #map1}]} {
    %mul3A = arith.constant 16 : i32
    %mul3A_0 = arith.muli %arg0, %mul3A : i32
    %add3A = arith.addi %mul3A_0, %arg1 : i32
    %mul3A_1 = arith.constant 78 : i32
    %mul3A_2 = arith.muli %add3A, %mul3A_1 : i32
    %dma_start3A = arith.constant 0 : i32
    %dma_start3A_3 = arith.constant 0 : i32
    %dma_start3A_4 = arith.constant 0 : i32
    %dma_start3A_5 = tpu.memref_slice %arg5[%dma_start3A_3, %dma_start3A_4] : memref<79x128xi32, #tpu.memory_space<vmem>> -> memref<78x128xi32, #tpu.memory_space<vmem>>
    %dma_start3A_6 = arith.constant 0 : i32
    %dma_start3A_7 = tpu.memref_slice %arg3[%dma_start3A, %mul3A_2, %dma_start3A_6] : memref<2x2500x128xi32, #tpu.memory_space<hbm>> -> memref<1x78x128xi32, #tpu.memory_space<hbm>>
    %dma_start3A_8 = tpu.memref_squeeze %dma_start3A_7 : memref<1x78x128xi32, #tpu.memory_space<hbm>> -> memref<78x128xi32, #tpu.memory_space<hbm>>
    %dma_start3A_9 = arith.constant 0 : i32
    %dma_start3A_10 = arith.constant 0 : i32
    %dma_start3A_11 = tpu.memref_slice %arg5[%dma_start3A_9, %dma_start3A_10] : memref<79x128xi32, #tpu.memory_space<vmem>> -> memref<78x128xi32, #tpu.memory_space<vmem>>
    %dma_start3A_12 = arith.constant 0 : i32
    %dma_start3A_13 = tpu.memref_slice %arg3[%dma_start3A, %mul3A_2, %dma_start3A_12] : memref<2x2500x128xi32, #tpu.memory_space<hbm>> -> memref<1x78x128xi32, #tpu.memory_space<hbm>>
    %dma_start3A_14 = tpu.memref_squeeze %dma_start3A_13 : memref<1x78x128xi32, #tpu.memory_space<hbm>> -> memref<78x128xi32, #tpu.memory_space<hbm>>
    tpu.enqueue_dma source(%dma_start3A_14 : memref<78x128xi32, #tpu.memory_space<hbm>>) target(%dma_start3A_11 : memref<78x128xi32, #tpu.memory_space<vmem>>) target_semaphore(%arg14 : memref<!tpu.dma_semaphore, #tpu.memory_space<semaphore_mem>>)
    %mul3A_15 = arith.constant 78 : i32
    %mul3A_16 = arith.muli %add3A, %mul3A_15 : i32
    %dma_start3A_17 = arith.constant 1 : i32
    %dma_start3A_18 = arith.constant 0 : i32
    %dma_start3A_19 = arith.constant 0 : i32
    %dma_start3A_20 = tpu.memref_slice %arg6[%dma_start3A_18, %dma_start3A_19] : memref<79x128xi32, #tpu.memory_space<vmem>> -> memref<78x128xi32, #tpu.memory_space<vmem>>
    %dma_start3A_21 = arith.constant 0 : i32
    %dma_start3A_22 = tpu.memref_slice %arg3[%dma_start3A_17, %mul3A_16, %dma_start3A_21] : memref<2x2500x128xi32, #tpu.memory_space<hbm>> -> memref<1x78x128xi32, #tpu.memory_space<hbm>>
    %dma_start3A_23 = tpu.memref_squeeze %dma_start3A_22 : memref<1x78x128xi32, #tpu.memory_space<hbm>> -> memref<78x128xi32, #tpu.memory_space<hbm>>
    %dma_start3A_24 = arith.constant 0 : i32
    %dma_start3A_25 = arith.constant 0 : i32
    %dma_start3A_26 = tpu.memref_slice %arg6[%dma_start3A_24, %dma_start3A_25] : memref<79x128xi32, #tpu.memory_space<vmem>> -> memref<78x128xi32, #tpu.memory_space<vmem>>
    %dma_start3A_27 = arith.constant 0 : i32
    %dma_start3A_28 = tpu.memref_slice %arg3[%dma_start3A_17, %mul3A_16, %dma_start3A_27] : memref<2x2500x128xi32, #tpu.memory_space<hbm>> -> memref<1x78x128xi32, #tpu.memory_space<hbm>>
    %dma_start3A_29 = tpu.memref_squeeze %dma_start3A_28 : memref<1x78x128xi32, #tpu.memory_space<hbm>> -> memref<78x128xi32, #tpu.memory_space<hbm>>
    tpu.enqueue_dma source(%dma_start3A_29 : memref<78x128xi32, #tpu.memory_space<hbm>>) target(%dma_start3A_26 : memref<78x128xi32, #tpu.memory_space<vmem>>) target_semaphore(%arg15 : memref<!tpu.dma_semaphore, #tpu.memory_space<semaphore_mem>>)
    %mul3A_30 = arith.constant 640 : i32
    %mul3A_31 = arith.muli %arg1, %mul3A_30 : i32
    %add3A_32 = arith.constant 0 : i32
    %add3A_33 = arith.addi %mul3A_31, %add3A_32 : i32
    %dma_start3A_34 = arith.constant 0 : i32
    %dma_start3A_35 = arith.constant 0 : i32
    %dma_start3A_36 = arith.constant 0 : i32
    %dma_start3A_37 = tpu.memref_slice %arg7[%dma_start3A_34, %dma_start3A_35, %dma_start3A_36] : memref<2x128x16xf32, #tpu.memory_space<vmem>> -> memref<1x128x16xf32, #tpu.memory_space<vmem>>
    %dma_start3A_38 = tpu.memref_squeeze %dma_start3A_37 : memref<1x128x16xf32, #tpu.memory_space<vmem>> -> memref<128x16xf32, #tpu.memory_space<vmem>>
    %dma_start3A_39 = arith.constant 0 : i32
    %dma_start3A_40 = tpu.memref_slice %arg2[%add3A_33, %dma_start3A_39] : memref<10240x16xf32, #tpu.memory_space<hbm>> -> memref<128x16xf32, #tpu.memory_space<hbm>>
    %dma_start3A_41 = arith.constant 0 : i32
    %dma_start3A_42 = arith.constant 0 : i32
    %dma_start3A_43 = tpu.memref_slice %arg7[%dma_start3A_34, %dma_start3A_41, %dma_start3A_42] : memref<2x128x16xf32, #tpu.memory_space<vmem>> -> memref<1x128x16xf32, #tpu.memory_space<vmem>>
    %dma_start3A_44 = tpu.memref_squeeze %dma_start3A_43 : memref<1x128x16xf32, #tpu.memory_space<vmem>> -> memref<128x16xf32, #tpu.memory_space<vmem>>
    %dma_start3A_45 = arith.constant 0 : i32
    %dma_start3A_46 = tpu.memref_slice %arg2[%add3A_33, %dma_start3A_45] : memref<10240x16xf32, #tpu.memory_space<hbm>> -> memref<128x16xf32, #tpu.memory_space<hbm>>
    tpu.enqueue_dma source(%dma_start3A_46 : memref<128x16xf32, #tpu.memory_space<hbm>>) target(%dma_start3A_44 : memref<128x16xf32, #tpu.memory_space<vmem>>) target_semaphore(%arg12 : memref<!tpu.dma_semaphore, #tpu.memory_space<semaphore_mem>>)
    %mul3A_47 = arith.constant 640 : i32
    %mul3A_48 = arith.muli %arg1, %mul3A_47 : i32
    %add3A_49 = arith.constant 128 : i32
    %add3A_50 = arith.addi %mul3A_48, %add3A_49 : i32
    %dma_start3A_51 = arith.constant 1 : i32
    %dma_start3A_52 = arith.constant 0 : i32
    %dma_start3A_53 = arith.constant 0 : i32
    %dma_start3A_54 = tpu.memref_slice %arg7[%dma_start3A_51, %dma_start3A_52, %dma_start3A_53] : memref<2x128x16xf32, #tpu.memory_space<vmem>> -> memref<1x128x16xf32, #tpu.memory_space<vmem>>
    %dma_start3A_55 = tpu.memref_squeeze %dma_start3A_54 : memref<1x128x16xf32, #tpu.memory_space<vmem>> -> memref<128x16xf32, #tpu.memory_space<vmem>>
    %dma_start3A_56 = arith.constant 0 : i32
    %dma_start3A_57 = tpu.memref_slice %arg2[%add3A_50, %dma_start3A_56] : memref<10240x16xf32, #tpu.memory_space<hbm>> -> memref<128x16xf32, #tpu.memory_space<hbm>>
    %dma_start3A_58 = arith.constant 0 : i32
    %dma_start3A_59 = arith.constant 0 : i32
    %dma_start3A_60 = tpu.memref_slice %arg7[%dma_start3A_51, %dma_start3A_58, %dma_start3A_59] : memref<2x128x16xf32, #tpu.memory_space<vmem>> -> memref<1x128x16xf32, #tpu.memory_space<vmem>>
    %dma_start3A_61 = tpu.memref_squeeze %dma_start3A_60 : memref<1x128x16xf32, #tpu.memory_space<vmem>> -> memref<128x16xf32, #tpu.memory_space<vmem>>
    %dma_start3A_62 = arith.constant 0 : i32
    %dma_start3A_63 = tpu.memref_slice %arg2[%add3A_50, %dma_start3A_62] : memref<10240x16xf32, #tpu.memory_space<hbm>> -> memref<128x16xf32, #tpu.memory_space<hbm>>
    tpu.enqueue_dma source(%dma_start3A_63 : memref<128x16xf32, #tpu.memory_space<hbm>>) target(%dma_start3A_61 : memref<128x16xf32, #tpu.memory_space<vmem>>) target_semaphore(%arg13 : memref<!tpu.dma_semaphore, #tpu.memory_space<semaphore_mem>>)
    %mul3A_64 = arith.constant 640 : i32
    %mul3A_65 = arith.muli %arg1, %mul3A_64 : i32
    %add3A_66 = arith.constant 0 : i32
    %add3A_67 = arith.addi %mul3A_65, %add3A_66 : i32
    %dma_wait3A = arith.constant 0 : i32
    %dma_wait3A_68 = arith.constant 0 : i32
    %dma_wait3A_69 = arith.constant 0 : i32
    %dma_wait3A_70 = tpu.memref_slice %arg7[%dma_wait3A, %dma_wait3A_68, %dma_wait3A_69] : memref<2x128x16xf32, #tpu.memory_space<vmem>> -> memref<1x128x16xf32, #tpu.memory_space<vmem>>
    %dma_wait3A_71 = tpu.memref_squeeze %dma_wait3A_70 : memref<1x128x16xf32, #tpu.memory_space<vmem>> -> memref<128x16xf32, #tpu.memory_space<vmem>>
    %dma_wait3A_72 = arith.constant 0 : i32
    %dma_wait3A_73 = tpu.memref_slice %arg2[%add3A_67, %dma_wait3A_72] : memref<10240x16xf32, #tpu.memory_space<hbm>> -> memref<128x16xf32, #tpu.memory_space<hbm>>
    %dma_wait3A_74 = arith.constant 0 : i32
    %dma_wait3A_75 = arith.constant 0 : i32
    %dma_wait3A_76 = tpu.memref_slice %arg7[%dma_wait3A, %dma_wait3A_74, %dma_wait3A_75] : memref<2x128x16xf32, #tpu.memory_space<vmem>> -> memref<1x128x16xf32, #tpu.memory_space<vmem>>
    %dma_wait3A_77 = tpu.memref_squeeze %dma_wait3A_76 : memref<1x128x16xf32, #tpu.memory_space<vmem>> -> memref<128x16xf32, #tpu.memory_space<vmem>>
    %dma_wait3A_78 = arith.constant 0 : i32
    %dma_wait3A_79 = tpu.memref_slice %arg2[%add3A_67, %dma_wait3A_78] : memref<10240x16xf32, #tpu.memory_space<hbm>> -> memref<128x16xf32, #tpu.memory_space<hbm>>
    tpu.wait_dma2 semaphore(%arg12 : memref<!tpu.dma_semaphore, #tpu.memory_space<semaphore_mem>>) src(%dma_wait3A_79 : memref<128x16xf32, #tpu.memory_space<hbm>>) dst(%dma_wait3A_77 : memref<128x16xf32, #tpu.memory_space<vmem>>)
    %mul3A_80 = arith.constant 640 : i32
    %mul3A_81 = arith.muli %arg1, %mul3A_80 : i32
    %add3A_82 = arith.constant 0 : i32
    %add3A_83 = arith.addi %mul3A_81, %add3A_82 : i32
    %dma_start3A_84 = arith.constant 0 : i32
    %dma_start3A_85 = arith.constant 0 : i32
    %dma_start3A_86 = arith.constant 0 : i32
    %dma_start3A_87 = tpu.memref_slice %arg7[%dma_start3A_84, %dma_start3A_85, %dma_start3A_86] : memref<2x128x16xf32, #tpu.memory_space<vmem>> -> memref<1x128x16xf32, #tpu.memory_space<vmem>>
    %dma_start3A_88 = tpu.memref_squeeze %dma_start3A_87 : memref<1x128x16xf32, #tpu.memory_space<vmem>> -> memref<128x16xf32, #tpu.memory_space<vmem>>
    %dma_start3A_89 = arith.constant 0 : i32
    %dma_start3A_90 = tpu.memref_slice %arg8[%add3A_83, %dma_start3A_89] : memref<10240x16xf32, #tpu.memory_space<vmem_shared>> -> memref<128x16xf32, #tpu.memory_space<vmem_shared>>
    %dma_start3A_91 = arith.constant 0 : i32
    %dma_start3A_92 = tpu.memref_slice %arg8[%add3A_83, %dma_start3A_91] : memref<10240x16xf32, #tpu.memory_space<vmem_shared>> -> memref<128x16xf32, #tpu.memory_space<vmem_shared>>
    %dma_start3A_93 = arith.constant 0 : i32
    %dma_start3A_94 = arith.constant 0 : i32
    %dma_start3A_95 = tpu.memref_slice %arg7[%dma_start3A_84, %dma_start3A_93, %dma_start3A_94] : memref<2x128x16xf32, #tpu.memory_space<vmem>> -> memref<1x128x16xf32, #tpu.memory_space<vmem>>
    %dma_start3A_96 = tpu.memref_squeeze %dma_start3A_95 : memref<1x128x16xf32, #tpu.memory_space<vmem>> -> memref<128x16xf32, #tpu.memory_space<vmem>>
    tpu.enqueue_dma source(%dma_start3A_96 : memref<128x16xf32, #tpu.memory_space<vmem>>) target(%dma_start3A_92 : memref<128x16xf32, #tpu.memory_space<vmem_shared>>) target_semaphore(%arg10 : memref<!tpu.dma_semaphore, #tpu.memory_space<semaphore_mem>>)
    %mul3A_97 = arith.constant 640 : i32
    %mul3A_98 = arith.muli %arg1, %mul3A_97 : i32
    %add3A_99 = arith.constant 0 : i32
    %add3A_100 = arith.addi %mul3A_98, %add3A_99 : i32
    %dma_wait3A_101 = arith.constant 0 : i32
    %dma_wait3A_102 = arith.constant 0 : i32
    %dma_wait3A_103 = arith.constant 0 : i32
    %dma_wait3A_104 = tpu.memref_slice %arg7[%dma_wait3A_101, %dma_wait3A_102, %dma_wait3A_103] : memref<2x128x16xf32, #tpu.memory_space<vmem>> -> memref<1x128x16xf32, #tpu.memory_space<vmem>>
    %dma_wait3A_105 = tpu.memref_squeeze %dma_wait3A_104 : memref<1x128x16xf32, #tpu.memory_space<vmem>> -> memref<128x16xf32, #tpu.memory_space<vmem>>
    %dma_wait3A_106 = arith.constant 0 : i32
    %dma_wait3A_107 = tpu.memref_slice %arg8[%add3A_100, %dma_wait3A_106] : memref<10240x16xf32, #tpu.memory_space<vmem_shared>> -> memref<128x16xf32, #tpu.memory_space<vmem_shared>>
    %dma_wait3A_108 = arith.constant 0 : i32
    %dma_wait3A_109 = tpu.memref_slice %arg8[%add3A_100, %dma_wait3A_108] : memref<10240x16xf32, #tpu.memory_space<vmem_shared>> -> memref<128x16xf32, #tpu.memory_space<vmem_shared>>
    %dma_wait3A_110 = arith.constant 0 : i32
    %dma_wait3A_111 = arith.constant 0 : i32
    %dma_wait3A_112 = tpu.memref_slice %arg7[%dma_wait3A_101, %dma_wait3A_110, %dma_wait3A_111] : memref<2x128x16xf32, #tpu.memory_space<vmem>> -> memref<1x128x16xf32, #tpu.memory_space<vmem>>
    %dma_wait3A_113 = tpu.memref_squeeze %dma_wait3A_112 : memref<1x128x16xf32, #tpu.memory_space<vmem>> -> memref<128x16xf32, #tpu.memory_space<vmem>>
    tpu.wait_dma2 semaphore(%arg10 : memref<!tpu.dma_semaphore, #tpu.memory_space<semaphore_mem>>) src(%dma_wait3A_113 : memref<128x16xf32, #tpu.memory_space<vmem>>) dst(%dma_wait3A_109 : memref<128x16xf32, #tpu.memory_space<vmem_shared>>)
    %mul3A_114 = arith.constant 640 : i32
    %mul3A_115 = arith.muli %arg1, %mul3A_114 : i32
    %add3A_116 = arith.constant 256 : i32
    %add3A_117 = arith.addi %mul3A_115, %add3A_116 : i32
    %dma_start3A_118 = arith.constant 0 : i32
    %dma_start3A_119 = arith.constant 0 : i32
    %dma_start3A_120 = arith.constant 0 : i32
    %dma_start3A_121 = tpu.memref_slice %arg7[%dma_start3A_118, %dma_start3A_119, %dma_start3A_120] : memref<2x128x16xf32, #tpu.memory_space<vmem>> -> memref<1x128x16xf32, #tpu.memory_space<vmem>>
    %dma_start3A_122 = tpu.memref_squeeze %dma_start3A_121 : memref<1x128x16xf32, #tpu.memory_space<vmem>> -> memref<128x16xf32, #tpu.memory_space<vmem>>
    %dma_start3A_123 = arith.constant 0 : i32
    %dma_start3A_124 = tpu.memref_slice %arg2[%add3A_117, %dma_start3A_123] : memref<10240x16xf32, #tpu.memory_space<hbm>> -> memref<128x16xf32, #tpu.memory_space<hbm>>
    %dma_start3A_125 = arith.constant 0 : i32
    %dma_start3A_126 = arith.constant 0 : i32
    %dma_start3A_127 = tpu.memref_slice %arg7[%dma_start3A_118, %dma_start3A_125, %dma_start3A_126] : memref<2x128x16xf32, #tpu.memory_space<vmem>> -> memref<1x128x16xf32, #tpu.memory_space<vmem>>
    %dma_start3A_128 = tpu.memref_squeeze %dma_start3A_127 : memref<1x128x16xf32, #tpu.memory_space<vmem>> -> memref<128x16xf32, #tpu.memory_space<vmem>>
    %dma_start3A_129 = arith.constant 0 : i32
    %dma_start3A_130 = tpu.memref_slice %arg2[%add3A_117, %dma_start3A_129] : memref<10240x16xf32, #tpu.memory_space<hbm>> -> memref<128x16xf32, #tpu.memory_space<hbm>>
    tpu.enqueue_dma source(%dma_start3A_130 : memref<128x16xf32, #tpu.memory_space<hbm>>) target(%dma_start3A_128 : memref<128x16xf32, #tpu.memory_space<vmem>>) target_semaphore(%arg12 : memref<!tpu.dma_semaphore, #tpu.memory_space<semaphore_mem>>)
    %mul3A_131 = arith.constant 640 : i32
    %mul3A_132 = arith.muli %arg1, %mul3A_131 : i32
    %add3A_133 = arith.constant 128 : i32
    %add3A_134 = arith.addi %mul3A_132, %add3A_133 : i32
    %dma_wait3A_135 = arith.constant 1 : i32
    %dma_wait3A_136 = arith.constant 0 : i32
    %dma_wait3A_137 = arith.constant 0 : i32
    %dma_wait3A_138 = tpu.memref_slice %arg7[%dma_wait3A_135, %dma_wait3A_136, %dma_wait3A_137] : memref<2x128x16xf32, #tpu.memory_space<vmem>> -> memref<1x128x16xf32, #tpu.memory_space<vmem>>
    %dma_wait3A_139 = tpu.memref_squeeze %dma_wait3A_138 : memref<1x128x16xf32, #tpu.memory_space<vmem>> -> memref<128x16xf32, #tpu.memory_space<vmem>>
    %dma_wait3A_140 = arith.constant 0 : i32
    %dma_wait3A_141 = tpu.memref_slice %arg2[%add3A_134, %dma_wait3A_140] : memref<10240x16xf32, #tpu.memory_space<hbm>> -> memref<128x16xf32, #tpu.memory_space<hbm>>
    %dma_wait3A_142 = arith.constant 0 : i32
    %dma_wait3A_143 = arith.constant 0 : i32
    %dma_wait3A_144 = tpu.memref_slice %arg7[%dma_wait3A_135, %dma_wait3A_142, %dma_wait3A_143] : memref<2x128x16xf32, #tpu.memory_space<vmem>> -> memref<1x128x16xf32, #tpu.memory_space<vmem>>
    %dma_wait3A_145 = tpu.memref_squeeze %dma_wait3A_144 : memref<1x128x16xf32, #tpu.memory_space<vmem>> -> memref<128x16xf32, #tpu.memory_space<vmem>>
    %dma_wait3A_146 = arith.constant 0 : i32
    %dma_wait3A_147 = tpu.memref_slice %arg2[%add3A_134, %dma_wait3A_146] : memref<10240x16xf32, #tpu.memory_space<hbm>> -> memref<128x16xf32, #tpu.memory_space<hbm>>
    tpu.wait_dma2 semaphore(%arg13 : memref<!tpu.dma_semaphore, #tpu.memory_space<semaphore_mem>>) src(%dma_wait3A_147 : memref<128x16xf32, #tpu.memory_space<hbm>>) dst(%dma_wait3A_145 : memref<128x16xf32, #tpu.memory_space<vmem>>)
    %mul3A_148 = arith.constant 640 : i32
    %mul3A_149 = arith.muli %arg1, %mul3A_148 : i32
    %add3A_150 = arith.constant 128 : i32
    %add3A_151 = arith.addi %mul3A_149, %add3A_150 : i32
    %dma_start3A_152 = arith.constant 1 : i32
    %dma_start3A_153 = arith.constant 0 : i32
    %dma_start3A_154 = arith.constant 0 : i32
    %dma_start3A_155 = tpu.memref_slice %arg7[%dma_start3A_152, %dma_start3A_153, %dma_start3A_154] : memref<2x128x16xf32, #tpu.memory_space<vmem>> -> memref<1x128x16xf32, #tpu.memory_space<vmem>>
    %dma_start3A_156 = tpu.memref_squeeze %dma_start3A_155 : memref<1x128x16xf32, #tpu.memory_space<vmem>> -> memref<128x16xf32, #tpu.memory_space<vmem>>
    %dma_start3A_157 = arith.constant 0 : i32
    %dma_start3A_158 = tpu.memref_slice %arg8[%add3A_151, %dma_start3A_157] : memref<10240x16xf32, #tpu.memory_space<vmem_shared>> -> memref<128x16xf32, #tpu.memory_space<vmem_shared>>
    %dma_start3A_159 = arith.constant 0 : i32
    %dma_start3A_160 = tpu.memref_slice %arg8[%add3A_151, %dma_start3A_159] : memref<10240x16xf32, #tpu.memory_space<vmem_shared>> -> memref<128x16xf32, #tpu.memory_space<vmem_shared>>
    %dma_start3A_161 = arith.constant 0 : i32
    %dma_start3A_162 = arith.constant 0 : i32
    %dma_start3A_163 = tpu.memref_slice %arg7[%dma_start3A_152, %dma_start3A_161, %dma_start3A_162] : memref<2x128x16xf32, #tpu.memory_space<vmem>> -> memref<1x128x16xf32, #tpu.memory_space<vmem>>
    %dma_start3A_164 = tpu.memref_squeeze %dma_start3A_163 : memref<1x128x16xf32, #tpu.memory_space<vmem>> -> memref<128x16xf32, #tpu.memory_space<vmem>>
    tpu.enqueue_dma source(%dma_start3A_164 : memref<128x16xf32, #tpu.memory_space<vmem>>) target(%dma_start3A_160 : memref<128x16xf32, #tpu.memory_space<vmem_shared>>) target_semaphore(%arg11 : memref<!tpu.dma_semaphore, #tpu.memory_space<semaphore_mem>>)
    %mul3A_165 = arith.constant 640 : i32
    %mul3A_166 = arith.muli %arg1, %mul3A_165 : i32
    %add3A_167 = arith.constant 128 : i32
    %add3A_168 = arith.addi %mul3A_166, %add3A_167 : i32
    %dma_wait3A_169 = arith.constant 1 : i32
    %dma_wait3A_170 = arith.constant 0 : i32
    %dma_wait3A_171 = arith.constant 0 : i32
    %dma_wait3A_172 = tpu.memref_slice %arg7[%dma_wait3A_169, %dma_wait3A_170, %dma_wait3A_171] : memref<2x128x16xf32, #tpu.memory_space<vmem>> -> memref<1x128x16xf32, #tpu.memory_space<vmem>>
    %dma_wait3A_173 = tpu.memref_squeeze %dma_wait3A_172 : memref<1x128x16xf32, #tpu.memory_space<vmem>> -> memref<128x16xf32, #tpu.memory_space<vmem>>
    %dma_wait3A_174 = arith.constant 0 : i32
    %dma_wait3A_175 = tpu.memref_slice %arg8[%add3A_168, %dma_wait3A_174] : memref<10240x16xf32, #tpu.memory_space<vmem_shared>> -> memref<128x16xf32, #tpu.memory_space<vmem_shared>>
    %dma_wait3A_176 = arith.constant 0 : i32
    %dma_wait3A_177 = tpu.memref_slice %arg8[%add3A_168, %dma_wait3A_176] : memref<10240x16xf32, #tpu.memory_space<vmem_shared>> -> memref<128x16xf32, #tpu.memory_space<vmem_shared>>
    %dma_wait3A_178 = arith.constant 0 : i32
    %dma_wait3A_179 = arith.constant 0 : i32
    %dma_wait3A_180 = tpu.memref_slice %arg7[%dma_wait3A_169, %dma_wait3A_178, %dma_wait3A_179] : memref<2x128x16xf32, #tpu.memory_space<vmem>> -> memref<1x128x16xf32, #tpu.memory_space<vmem>>
    %dma_wait3A_181 = tpu.memref_squeeze %dma_wait3A_180 : memref<1x128x16xf32, #tpu.memory_space<vmem>> -> memref<128x16xf32, #tpu.memory_space<vmem>>
    tpu.wait_dma2 semaphore(%arg11 : memref<!tpu.dma_semaphore, #tpu.memory_space<semaphore_mem>>) src(%dma_wait3A_181 : memref<128x16xf32, #tpu.memory_space<vmem>>) dst(%dma_wait3A_177 : memref<128x16xf32, #tpu.memory_space<vmem_shared>>)
    %mul3A_182 = arith.constant 640 : i32
    %mul3A_183 = arith.muli %arg1, %mul3A_182 : i32
    %add3A_184 = arith.constant 384 : i32
    %add3A_185 = arith.addi %mul3A_183, %add3A_184 : i32
    %dma_start3A_186 = arith.constant 1 : i32
    %dma_start3A_187 = arith.constant 0 : i32
    %dma_start3A_188 = arith.constant 0 : i32
    %dma_start3A_189 = tpu.memref_slice %arg7[%dma_start3A_186, %dma_start3A_187, %dma_start3A_188] : memref<2x128x16xf32, #tpu.memory_space<vmem>> -> memref<1x128x16xf32, #tpu.memory_space<vmem>>
    %dma_start3A_190 = tpu.memref_squeeze %dma_start3A_189 : memref<1x128x16xf32, #tpu.memory_space<vmem>> -> memref<128x16xf32, #tpu.memory_space<vmem>>
    %dma_start3A_191 = arith.constant 0 : i32
    %dma_start3A_192 = tpu.memref_slice %arg2[%add3A_185, %dma_start3A_191] : memref<10240x16xf32, #tpu.memory_space<hbm>> -> memref<128x16xf32, #tpu.memory_space<hbm>>
    %dma_start3A_193 = arith.constant 0 : i32
    %dma_start3A_194 = arith.constant 0 : i32
    %dma_start3A_195 = tpu.memref_slice %arg7[%dma_start3A_186, %dma_start3A_193, %dma_start3A_194] : memref<2x128x16xf32, #tpu.memory_space<vmem>> -> memref<1x128x16xf32, #tpu.memory_space<vmem>>
    %dma_start3A_196 = tpu.memref_squeeze %dma_start3A_195 : memref<1x128x16xf32, #tpu.memory_space<vmem>> -> memref<128x16xf32, #tpu.memory_space<vmem>>
    %dma_start3A_197 = arith.constant 0 : i32
    %dma_start3A_198 = tpu.memref_slice %arg2[%add3A_185, %dma_start3A_197] : memref<10240x16xf32, #tpu.memory_space<hbm>> -> memref<128x16xf32, #tpu.memory_space<hbm>>
    tpu.enqueue_dma source(%dma_start3A_198 : memref<128x16xf32, #tpu.memory_space<hbm>>) target(%dma_start3A_196 : memref<128x16xf32, #tpu.memory_space<vmem>>) target_semaphore(%arg13 : memref<!tpu.dma_semaphore, #tpu.memory_space<semaphore_mem>>)
    %mul3A_199 = arith.constant 640 : i32
    %mul3A_200 = arith.muli %arg1, %mul3A_199 : i32
    %add3A_201 = arith.constant 256 : i32
    %add3A_202 = arith.addi %mul3A_200, %add3A_201 : i32
    %dma_wait3A_203 = arith.constant 0 : i32
    %dma_wait3A_204 = arith.constant 0 : i32
    %dma_wait3A_205 = arith.constant 0 : i32
    %dma_wait3A_206 = tpu.memref_slice %arg7[%dma_wait3A_203, %dma_wait3A_204, %dma_wait3A_205] : memref<2x128x16xf32, #tpu.memory_space<vmem>> -> memref<1x128x16xf32, #tpu.memory_space<vmem>>
    %dma_wait3A_207 = tpu.memref_squeeze %dma_wait3A_206 : memref<1x128x16xf32, #tpu.memory_space<vmem>> -> memref<128x16xf32, #tpu.memory_space<vmem>>
    %dma_wait3A_208 = arith.constant 0 : i32
    %dma_wait3A_209 = tpu.memref_slice %arg2[%add3A_202, %dma_wait3A_208] : memref<10240x16xf32, #tpu.memory_space<hbm>> -> memref<128x16xf32, #tpu.memory_space<hbm>>
    %dma_wait3A_210 = arith.constant 0 : i32
    %dma_wait3A_211 = arith.constant 0 : i32
    %dma_wait3A_212 = tpu.memref_slice %arg7[%dma_wait3A_203, %dma_wait3A_210, %dma_wait3A_211] : memref<2x128x16xf32, #tpu.memory_space<vmem>> -> memref<1x128x16xf32, #tpu.memory_space<vmem>>
    %dma_wait3A_213 = tpu.memref_squeeze %dma_wait3A_212 : memref<1x128x16xf32, #tpu.memory_space<vmem>> -> memref<128x16xf32, #tpu.memory_space<vmem>>
    %dma_wait3A_214 = arith.constant 0 : i32
    %dma_wait3A_215 = tpu.memref_slice %arg2[%add3A_202, %dma_wait3A_214] : memref<10240x16xf32, #tpu.memory_space<hbm>> -> memref<128x16xf32, #tpu.memory_space<hbm>>
    tpu.wait_dma2 semaphore(%arg12 : memref<!tpu.dma_semaphore, #tpu.memory_space<semaphore_mem>>) src(%dma_wait3A_215 : memref<128x16xf32, #tpu.memory_space<hbm>>) dst(%dma_wait3A_213 : memref<128x16xf32, #tpu.memory_space<vmem>>)
    %mul3A_216 = arith.constant 640 : i32
    %mul3A_217 = arith.muli %arg1, %mul3A_216 : i32
    %add3A_218 = arith.constant 256 : i32
    %add3A_219 = arith.addi %mul3A_217, %add3A_218 : i32
    %dma_start3A_220 = arith.constant 0 : i32
    %dma_start3A_221 = arith.constant 0 : i32
    %dma_start3A_222 = arith.constant 0 : i32
    %dma_start3A_223 = tpu.memref_slice %arg7[%dma_start3A_220, %dma_start3A_221, %dma_start3A_222] : memref<2x128x16xf32, #tpu.memory_space<vmem>> -> memref<1x128x16xf32, #tpu.memory_space<vmem>>
    %dma_start3A_224 = tpu.memref_squeeze %dma_start3A_223 : memref<1x128x16xf32, #tpu.memory_space<vmem>> -> memref<128x16xf32, #tpu.memory_space<vmem>>
    %dma_start3A_225 = arith.constant 0 : i32
    %dma_start3A_226 = tpu.memref_slice %arg8[%add3A_219, %dma_start3A_225] : memref<10240x16xf32, #tpu.memory_space<vmem_shared>> -> memref<128x16xf32, #tpu.memory_space<vmem_shared>>
    %dma_start3A_227 = arith.constant 0 : i32
    %dma_start3A_228 = tpu.memref_slice %arg8[%add3A_219, %dma_start3A_227] : memref<10240x16xf32, #tpu.memory_space<vmem_shared>> -> memref<128x16xf32, #tpu.memory_space<vmem_shared>>
    %dma_start3A_229 = arith.constant 0 : i32
    %dma_start3A_230 = arith.constant 0 : i32
    %dma_start3A_231 = tpu.memref_slice %arg7[%dma_start3A_220, %dma_start3A_229, %dma_start3A_230] : memref<2x128x16xf32, #tpu.memory_space<vmem>> -> memref<1x128x16xf32, #tpu.memory_space<vmem>>
    %dma_start3A_232 = tpu.memref_squeeze %dma_start3A_231 : memref<1x128x16xf32, #tpu.memory_space<vmem>> -> memref<128x16xf32, #tpu.memory_space<vmem>>
    tpu.enqueue_dma source(%dma_start3A_232 : memref<128x16xf32, #tpu.memory_space<vmem>>) target(%dma_start3A_228 : memref<128x16xf32, #tpu.memory_space<vmem_shared>>) target_semaphore(%arg10 : memref<!tpu.dma_semaphore, #tpu.memory_space<semaphore_mem>>)
    %mul3A_233 = arith.constant 640 : i32
    %mul3A_234 = arith.muli %arg1, %mul3A_233 : i32
    %add3A_235 = arith.constant 256 : i32
    %add3A_236 = arith.addi %mul3A_234, %add3A_235 : i32
    %dma_wait3A_237 = arith.constant 0 : i32
    %dma_wait3A_238 = arith.constant 0 : i32
    %dma_wait3A_239 = arith.constant 0 : i32
    %dma_wait3A_240 = tpu.memref_slice %arg7[%dma_wait3A_237, %dma_wait3A_238, %dma_wait3A_239] : memref<2x128x16xf32, #tpu.memory_space<vmem>> -> memref<1x128x16xf32, #tpu.memory_space<vmem>>
    %dma_wait3A_241 = tpu.memref_squeeze %dma_wait3A_240 : memref<1x128x16xf32, #tpu.memory_space<vmem>> -> memref<128x16xf32, #tpu.memory_space<vmem>>
    %dma_wait3A_242 = arith.constant 0 : i32
    %dma_wait3A_243 = tpu.memref_slice %arg8[%add3A_236, %dma_wait3A_242] : memref<10240x16xf32, #tpu.memory_space<vmem_shared>> -> memref<128x16xf32, #tpu.memory_space<vmem_shared>>
    %dma_wait3A_244 = arith.constant 0 : i32
    %dma_wait3A_245 = tpu.memref_slice %arg8[%add3A_236, %dma_wait3A_244] : memref<10240x16xf32, #tpu.memory_space<vmem_shared>> -> memref<128x16xf32, #tpu.memory_space<vmem_shared>>
    %dma_wait3A_246 = arith.constant 0 : i32
    %dma_wait3A_247 = arith.constant 0 : i32
    %dma_wait3A_248 = tpu.memref_slice %arg7[%dma_wait3A_237, %dma_wait3A_246, %dma_wait3A_247] : memref<2x128x16xf32, #tpu.memory_space<vmem>> -> memref<1x128x16xf32, #tpu.memory_space<vmem>>
    %dma_wait3A_249 = tpu.memref_squeeze %dma_wait3A_248 : memref<1x128x16xf32, #tpu.memory_space<vmem>> -> memref<128x16xf32, #tpu.memory_space<vmem>>
    tpu.wait_dma2 semaphore(%arg10 : memref<!tpu.dma_semaphore, #tpu.memory_space<semaphore_mem>>) src(%dma_wait3A_249 : memref<128x16xf32, #tpu.memory_space<vmem>>) dst(%dma_wait3A_245 : memref<128x16xf32, #tpu.memory_space<vmem_shared>>)
    %mul3A_250 = arith.constant 640 : i32
    %mul3A_251 = arith.muli %arg1, %mul3A_250 : i32
    %add3A_252 = arith.constant 512 : i32
    %add3A_253 = arith.addi %mul3A_251, %add3A_252 : i32
    %dma_start3A_254 = arith.constant 0 : i32
    %dma_start3A_255 = arith.constant 0 : i32
    %dma_start3A_256 = arith.constant 0 : i32
    %dma_start3A_257 = tpu.memref_slice %arg7[%dma_start3A_254, %dma_start3A_255, %dma_start3A_256] : memref<2x128x16xf32, #tpu.memory_space<vmem>> -> memref<1x128x16xf32, #tpu.memory_space<vmem>>
    %dma_start3A_258 = tpu.memref_squeeze %dma_start3A_257 : memref<1x128x16xf32, #tpu.memory_space<vmem>> -> memref<128x16xf32, #tpu.memory_space<vmem>>
    %dma_start3A_259 = arith.constant 0 : i32
    %dma_start3A_260 = tpu.memref_slice %arg2[%add3A_253, %dma_start3A_259] : memref<10240x16xf32, #tpu.memory_space<hbm>> -> memref<128x16xf32, #tpu.memory_space<hbm>>
    %dma_start3A_261 = arith.constant 0 : i32
    %dma_start3A_262 = arith.constant 0 : i32
    %dma_start3A_263 = tpu.memref_slice %arg7[%dma_start3A_254, %dma_start3A_261, %dma_start3A_262] : memref<2x128x16xf32, #tpu.memory_space<vmem>> -> memref<1x128x16xf32, #tpu.memory_space<vmem>>
    %dma_start3A_264 = tpu.memref_squeeze %dma_start3A_263 : memref<1x128x16xf32, #tpu.memory_space<vmem>> -> memref<128x16xf32, #tpu.memory_space<vmem>>
    %dma_start3A_265 = arith.constant 0 : i32
    %dma_start3A_266 = tpu.memref_slice %arg2[%add3A_253, %dma_start3A_265] : memref<10240x16xf32, #tpu.memory_space<hbm>> -> memref<128x16xf32, #tpu.memory_space<hbm>>
    tpu.enqueue_dma source(%dma_start3A_266 : memref<128x16xf32, #tpu.memory_space<hbm>>) target(%dma_start3A_264 : memref<128x16xf32, #tpu.memory_space<vmem>>) target_semaphore(%arg12 : memref<!tpu.dma_semaphore, #tpu.memory_space<semaphore_mem>>)
    %mul3A_267 = arith.constant 640 : i32
    %mul3A_268 = arith.muli %arg1, %mul3A_267 : i32
    %add3A_269 = arith.constant 384 : i32
    %add3A_270 = arith.addi %mul3A_268, %add3A_269 : i32
    %dma_wait3A_271 = arith.constant 1 : i32
    %dma_wait3A_272 = arith.constant 0 : i32
    %dma_wait3A_273 = arith.constant 0 : i32
    %dma_wait3A_274 = tpu.memref_slice %arg7[%dma_wait3A_271, %dma_wait3A_272, %dma_wait3A_273] : memref<2x128x16xf32, #tpu.memory_space<vmem>> -> memref<1x128x16xf32, #tpu.memory_space<vmem>>
    %dma_wait3A_275 = tpu.memref_squeeze %dma_wait3A_274 : memref<1x128x16xf32, #tpu.memory_space<vmem>> -> memref<128x16xf32, #tpu.memory_space<vmem>>
    %dma_wait3A_276 = arith.constant 0 : i32
    %dma_wait3A_277 = tpu.memref_slice %arg2[%add3A_270, %dma_wait3A_276] : memref<10240x16xf32, #tpu.memory_space<hbm>> -> memref<128x16xf32, #tpu.memory_space<hbm>>
    %dma_wait3A_278 = arith.constant 0 : i32
    %dma_wait3A_279 = arith.constant 0 : i32
    %dma_wait3A_280 = tpu.memref_slice %arg7[%dma_wait3A_271, %dma_wait3A_278, %dma_wait3A_279] : memref<2x128x16xf32, #tpu.memory_space<vmem>> -> memref<1x128x16xf32, #tpu.memory_space<vmem>>
    %dma_wait3A_281 = tpu.memref_squeeze %dma_wait3A_280 : memref<1x128x16xf32, #tpu.memory_space<vmem>> -> memref<128x16xf32, #tpu.memory_space<vmem>>
    %dma_wait3A_282 = arith.constant 0 : i32
    %dma_wait3A_283 = tpu.memref_slice %arg2[%add3A_270, %dma_wait3A_282] : memref<10240x16xf32, #tpu.memory_space<hbm>> -> memref<128x16xf32, #tpu.memory_space<hbm>>
    tpu.wait_dma2 semaphore(%arg13 : memref<!tpu.dma_semaphore, #tpu.memory_space<semaphore_mem>>) src(%dma_wait3A_283 : memref<128x16xf32, #tpu.memory_space<hbm>>) dst(%dma_wait3A_281 : memref<128x16xf32, #tpu.memory_space<vmem>>)
    %mul3A_284 = arith.constant 640 : i32
    %mul3A_285 = arith.muli %arg1, %mul3A_284 : i32
    %add3A_286 = arith.constant 384 : i32
    %add3A_287 = arith.addi %mul3A_285, %add3A_286 : i32
    %dma_start3A_288 = arith.constant 1 : i32
    %dma_start3A_289 = arith.constant 0 : i32
    %dma_start3A_290 = arith.constant 0 : i32
    %dma_start3A_291 = tpu.memref_slice %arg7[%dma_start3A_288, %dma_start3A_289, %dma_start3A_290] : memref<2x128x16xf32, #tpu.memory_space<vmem>> -> memref<1x128x16xf32, #tpu.memory_space<vmem>>
    %dma_start3A_292 = tpu.memref_squeeze %dma_start3A_291 : memref<1x128x16xf32, #tpu.memory_space<vmem>> -> memref<128x16xf32, #tpu.memory_space<vmem>>
    %dma_start3A_293 = arith.constant 0 : i32
    %dma_start3A_294 = tpu.memref_slice %arg8[%add3A_287, %dma_start3A_293] : memref<10240x16xf32, #tpu.memory_space<vmem_shared>> -> memref<128x16xf32, #tpu.memory_space<vmem_shared>>
    %dma_start3A_295 = arith.constant 0 : i32
    %dma_start3A_296 = tpu.memref_slice %arg8[%add3A_287, %dma_start3A_295] : memref<10240x16xf32, #tpu.memory_space<vmem_shared>> -> memref<128x16xf32, #tpu.memory_space<vmem_shared>>
    %dma_start3A_297 = arith.constant 0 : i32
    %dma_start3A_298 = arith.constant 0 : i32
    %dma_start3A_299 = tpu.memref_slice %arg7[%dma_start3A_288, %dma_start3A_297, %dma_start3A_298] : memref<2x128x16xf32, #tpu.memory_space<vmem>> -> memref<1x128x16xf32, #tpu.memory_space<vmem>>
    %dma_start3A_300 = tpu.memref_squeeze %dma_start3A_299 : memref<1x128x16xf32, #tpu.memory_space<vmem>> -> memref<128x16xf32, #tpu.memory_space<vmem>>
    tpu.enqueue_dma source(%dma_start3A_300 : memref<128x16xf32, #tpu.memory_space<vmem>>) target(%dma_start3A_296 : memref<128x16xf32, #tpu.memory_space<vmem_shared>>) target_semaphore(%arg11 : memref<!tpu.dma_semaphore, #tpu.memory_space<semaphore_mem>>)
    %mul3A_301 = arith.constant 640 : i32
    %mul3A_302 = arith.muli %arg1, %mul3A_301 : i32
    %add3A_303 = arith.constant 512 : i32
    %add3A_304 = arith.addi %mul3A_302, %add3A_303 : i32
    %dma_wait3A_305 = arith.constant 0 : i32
    %dma_wait3A_306 = arith.constant 0 : i32
    %dma_wait3A_307 = arith.constant 0 : i32
    %dma_wait3A_308 = tpu.memref_slice %arg7[%dma_wait3A_305, %dma_wait3A_306, %dma_wait3A_307] : memref<2x128x16xf32, #tpu.memory_space<vmem>> -> memref<1x128x16xf32, #tpu.memory_space<vmem>>
    %dma_wait3A_309 = tpu.memref_squeeze %dma_wait3A_308 : memref<1x128x16xf32, #tpu.memory_space<vmem>> -> memref<128x16xf32, #tpu.memory_space<vmem>>
    %dma_wait3A_310 = arith.constant 0 : i32
    %dma_wait3A_311 = tpu.memref_slice %arg2[%add3A_304, %dma_wait3A_310] : memref<10240x16xf32, #tpu.memory_space<hbm>> -> memref<128x16xf32, #tpu.memory_space<hbm>>
    %dma_wait3A_312 = arith.constant 0 : i32
    %dma_wait3A_313 = arith.constant 0 : i32
    %dma_wait3A_314 = tpu.memref_slice %arg7[%dma_wait3A_305, %dma_wait3A_312, %dma_wait3A_313] : memref<2x128x16xf32, #tpu.memory_space<vmem>> -> memref<1x128x16xf32, #tpu.memory_space<vmem>>
    %dma_wait3A_315 = tpu.memref_squeeze %dma_wait3A_314 : memref<1x128x16xf32, #tpu.memory_space<vmem>> -> memref<128x16xf32, #tpu.memory_space<vmem>>
    %dma_wait3A_316 = arith.constant 0 : i32
    %dma_wait3A_317 = tpu.memref_slice %arg2[%add3A_304, %dma_wait3A_316] : memref<10240x16xf32, #tpu.memory_space<hbm>> -> memref<128x16xf32, #tpu.memory_space<hbm>>
    tpu.wait_dma2 semaphore(%arg12 : memref<!tpu.dma_semaphore, #tpu.memory_space<semaphore_mem>>) src(%dma_wait3A_317 : memref<128x16xf32, #tpu.memory_space<hbm>>) dst(%dma_wait3A_315 : memref<128x16xf32, #tpu.memory_space<vmem>>)
    %mul3A_318 = arith.constant 640 : i32
    %mul3A_319 = arith.muli %arg1, %mul3A_318 : i32
    %add3A_320 = arith.constant 512 : i32
    %add3A_321 = arith.addi %mul3A_319, %add3A_320 : i32
    %dma_start3A_322 = arith.constant 0 : i32
    %dma_start3A_323 = arith.constant 0 : i32
    %dma_start3A_324 = arith.constant 0 : i32
    %dma_start3A_325 = tpu.memref_slice %arg7[%dma_start3A_322, %dma_start3A_323, %dma_start3A_324] : memref<2x128x16xf32, #tpu.memory_space<vmem>> -> memref<1x128x16xf32, #tpu.memory_space<vmem>>
    %dma_start3A_326 = tpu.memref_squeeze %dma_start3A_325 : memref<1x128x16xf32, #tpu.memory_space<vmem>> -> memref<128x16xf32, #tpu.memory_space<vmem>>
    %dma_start3A_327 = arith.constant 0 : i32
    %dma_start3A_328 = tpu.memref_slice %arg8[%add3A_321, %dma_start3A_327] : memref<10240x16xf32, #tpu.memory_space<vmem_shared>> -> memref<128x16xf32, #tpu.memory_space<vmem_shared>>
    %dma_start3A_329 = arith.constant 0 : i32
    %dma_start3A_330 = tpu.memref_slice %arg8[%add3A_321, %dma_start3A_329] : memref<10240x16xf32, #tpu.memory_space<vmem_shared>> -> memref<128x16xf32, #tpu.memory_space<vmem_shared>>
    %dma_start3A_331 = arith.constant 0 : i32
    %dma_start3A_332 = arith.constant 0 : i32
    %dma_start3A_333 = tpu.memref_slice %arg7[%dma_start3A_322, %dma_start3A_331, %dma_start3A_332] : memref<2x128x16xf32, #tpu.memory_space<vmem>> -> memref<1x128x16xf32, #tpu.memory_space<vmem>>
    %dma_start3A_334 = tpu.memref_squeeze %dma_start3A_333 : memref<1x128x16xf32, #tpu.memory_space<vmem>> -> memref<128x16xf32, #tpu.memory_space<vmem>>
    tpu.enqueue_dma source(%dma_start3A_334 : memref<128x16xf32, #tpu.memory_space<vmem>>) target(%dma_start3A_330 : memref<128x16xf32, #tpu.memory_space<vmem_shared>>) target_semaphore(%arg10 : memref<!tpu.dma_semaphore, #tpu.memory_space<semaphore_mem>>)
    %mul3A_335 = arith.constant 640 : i32
    %mul3A_336 = arith.muli %arg1, %mul3A_335 : i32
    %add3A_337 = arith.constant 512 : i32
    %add3A_338 = arith.addi %mul3A_336, %add3A_337 : i32
    %dma_wait3A_339 = arith.constant 0 : i32
    %dma_wait3A_340 = arith.constant 0 : i32
    %dma_wait3A_341 = arith.constant 0 : i32
    %dma_wait3A_342 = tpu.memref_slice %arg7[%dma_wait3A_339, %dma_wait3A_340, %dma_wait3A_341] : memref<2x128x16xf32, #tpu.memory_space<vmem>> -> memref<1x128x16xf32, #tpu.memory_space<vmem>>
    %dma_wait3A_343 = tpu.memref_squeeze %dma_wait3A_342 : memref<1x128x16xf32, #tpu.memory_space<vmem>> -> memref<128x16xf32, #tpu.memory_space<vmem>>
    %dma_wait3A_344 = arith.constant 0 : i32
    %dma_wait3A_345 = tpu.memref_slice %arg8[%add3A_338, %dma_wait3A_344] : memref<10240x16xf32, #tpu.memory_space<vmem_shared>> -> memref<128x16xf32, #tpu.memory_space<vmem_shared>>
    %dma_wait3A_346 = arith.constant 0 : i32
    %dma_wait3A_347 = tpu.memref_slice %arg8[%add3A_338, %dma_wait3A_346] : memref<10240x16xf32, #tpu.memory_space<vmem_shared>> -> memref<128x16xf32, #tpu.memory_space<vmem_shared>>
    %dma_wait3A_348 = arith.constant 0 : i32
    %dma_wait3A_349 = arith.constant 0 : i32
    %dma_wait3A_350 = tpu.memref_slice %arg7[%dma_wait3A_339, %dma_wait3A_348, %dma_wait3A_349] : memref<2x128x16xf32, #tpu.memory_space<vmem>> -> memref<1x128x16xf32, #tpu.memory_space<vmem>>
    %dma_wait3A_351 = tpu.memref_squeeze %dma_wait3A_350 : memref<1x128x16xf32, #tpu.memory_space<vmem>> -> memref<128x16xf32, #tpu.memory_space<vmem>>
    tpu.wait_dma2 semaphore(%arg10 : memref<!tpu.dma_semaphore, #tpu.memory_space<semaphore_mem>>) src(%dma_wait3A_351 : memref<128x16xf32, #tpu.memory_space<vmem>>) dst(%dma_wait3A_347 : memref<128x16xf32, #tpu.memory_space<vmem_shared>>)
    %mul3A_352 = arith.constant 640 : i32
    %mul3A_353 = arith.muli %arg1, %mul3A_352 : i32
    %add3A_354 = arith.constant 384 : i32
    %add3A_355 = arith.addi %mul3A_353, %add3A_354 : i32
    %dma_wait3A_356 = arith.constant 1 : i32
    %dma_wait3A_357 = arith.constant 0 : i32
    %dma_wait3A_358 = arith.constant 0 : i32
    %dma_wait3A_359 = tpu.memref_slice %arg7[%dma_wait3A_356, %dma_wait3A_357, %dma_wait3A_358] : memref<2x128x16xf32, #tpu.memory_space<vmem>> -> memref<1x128x16xf32, #tpu.memory_space<vmem>>
    %dma_wait3A_360 = tpu.memref_squeeze %dma_wait3A_359 : memref<1x128x16xf32, #tpu.memory_space<vmem>> -> memref<128x16xf32, #tpu.memory_space<vmem>>
    %dma_wait3A_361 = arith.constant 0 : i32
    %dma_wait3A_362 = tpu.memref_slice %arg8[%add3A_355, %dma_wait3A_361] : memref<10240x16xf32, #tpu.memory_space<vmem_shared>> -> memref<128x16xf32, #tpu.memory_space<vmem_shared>>
    %dma_wait3A_363 = arith.constant 0 : i32
    %dma_wait3A_364 = tpu.memref_slice %arg8[%add3A_355, %dma_wait3A_363] : memref<10240x16xf32, #tpu.memory_space<vmem_shared>> -> memref<128x16xf32, #tpu.memory_space<vmem_shared>>
    %dma_wait3A_365 = arith.constant 0 : i32
    %dma_wait3A_366 = arith.constant 0 : i32
    %dma_wait3A_367 = tpu.memref_slice %arg7[%dma_wait3A_356, %dma_wait3A_365, %dma_wait3A_366] : memref<2x128x16xf32, #tpu.memory_space<vmem>> -> memref<1x128x16xf32, #tpu.memory_space<vmem>>
    %dma_wait3A_368 = tpu.memref_squeeze %dma_wait3A_367 : memref<1x128x16xf32, #tpu.memory_space<vmem>> -> memref<128x16xf32, #tpu.memory_space<vmem>>
    tpu.wait_dma2 semaphore(%arg11 : memref<!tpu.dma_semaphore, #tpu.memory_space<semaphore_mem>>) src(%dma_wait3A_368 : memref<128x16xf32, #tpu.memory_space<vmem>>) dst(%dma_wait3A_364 : memref<128x16xf32, #tpu.memory_space<vmem_shared>>)
    %mul3A_369 = arith.constant 78 : i32
    %mul3A_370 = arith.muli %add3A, %mul3A_369 : i32
    %dma_wait3A_371 = arith.constant 0 : i32
    %dma_wait3A_372 = arith.constant 0 : i32
    %dma_wait3A_373 = arith.constant 0 : i32
    %dma_wait3A_374 = tpu.memref_slice %arg5[%dma_wait3A_372, %dma_wait3A_373] : memref<79x128xi32, #tpu.memory_space<vmem>> -> memref<78x128xi32, #tpu.memory_space<vmem>>
    %dma_wait3A_375 = arith.constant 0 : i32
    %dma_wait3A_376 = tpu.memref_slice %arg3[%dma_wait3A_371, %mul3A_370, %dma_wait3A_375] : memref<2x2500x128xi32, #tpu.memory_space<hbm>> -> memref<1x78x128xi32, #tpu.memory_space<hbm>>
    %dma_wait3A_377 = tpu.memref_squeeze %dma_wait3A_376 : memref<1x78x128xi32, #tpu.memory_space<hbm>> -> memref<78x128xi32, #tpu.memory_space<hbm>>
    %dma_wait3A_378 = arith.constant 0 : i32
    %dma_wait3A_379 = arith.constant 0 : i32
    %dma_wait3A_380 = tpu.memref_slice %arg5[%dma_wait3A_378, %dma_wait3A_379] : memref<79x128xi32, #tpu.memory_space<vmem>> -> memref<78x128xi32, #tpu.memory_space<vmem>>
    %dma_wait3A_381 = arith.constant 0 : i32
    %dma_wait3A_382 = tpu.memref_slice %arg3[%dma_wait3A_371, %mul3A_370, %dma_wait3A_381] : memref<2x2500x128xi32, #tpu.memory_space<hbm>> -> memref<1x78x128xi32, #tpu.memory_space<hbm>>
    %dma_wait3A_383 = tpu.memref_squeeze %dma_wait3A_382 : memref<1x78x128xi32, #tpu.memory_space<hbm>> -> memref<78x128xi32, #tpu.memory_space<hbm>>
    tpu.wait_dma2 semaphore(%arg14 : memref<!tpu.dma_semaphore, #tpu.memory_space<semaphore_mem>>) src(%dma_wait3A_383 : memref<78x128xi32, #tpu.memory_space<hbm>>) dst(%dma_wait3A_380 : memref<78x128xi32, #tpu.memory_space<vmem>>)
    %mul3A_384 = arith.constant 78 : i32
    %mul3A_385 = arith.muli %add3A, %mul3A_384 : i32
    %dma_wait3A_386 = arith.constant 1 : i32
    %dma_wait3A_387 = arith.constant 0 : i32
    %dma_wait3A_388 = arith.constant 0 : i32
    %dma_wait3A_389 = tpu.memref_slice %arg6[%dma_wait3A_387, %dma_wait3A_388] : memref<79x128xi32, #tpu.memory_space<vmem>> -> memref<78x128xi32, #tpu.memory_space<vmem>>
    %dma_wait3A_390 = arith.constant 0 : i32
    %dma_wait3A_391 = tpu.memref_slice %arg3[%dma_wait3A_386, %mul3A_385, %dma_wait3A_390] : memref<2x2500x128xi32, #tpu.memory_space<hbm>> -> memref<1x78x128xi32, #tpu.memory_space<hbm>>
    %dma_wait3A_392 = tpu.memref_squeeze %dma_wait3A_391 : memref<1x78x128xi32, #tpu.memory_space<hbm>> -> memref<78x128xi32, #tpu.memory_space<hbm>>
    %dma_wait3A_393 = arith.constant 0 : i32
    %dma_wait3A_394 = arith.constant 0 : i32
    %dma_wait3A_395 = tpu.memref_slice %arg6[%dma_wait3A_393, %dma_wait3A_394] : memref<79x128xi32, #tpu.memory_space<vmem>> -> memref<78x128xi32, #tpu.memory_space<vmem>>
    %dma_wait3A_396 = arith.constant 0 : i32
    %dma_wait3A_397 = tpu.memref_slice %arg3[%dma_wait3A_386, %mul3A_385, %dma_wait3A_396] : memref<2x2500x128xi32, #tpu.memory_space<hbm>> -> memref<1x78x128xi32, #tpu.memory_space<hbm>>
    %dma_wait3A_398 = tpu.memref_squeeze %dma_wait3A_397 : memref<1x78x128xi32, #tpu.memory_space<hbm>> -> memref<78x128xi32, #tpu.memory_space<hbm>>
    tpu.wait_dma2 semaphore(%arg15 : memref<!tpu.dma_semaphore, #tpu.memory_space<semaphore_mem>>) src(%dma_wait3A_398 : memref<78x128xi32, #tpu.memory_space<hbm>>) dst(%dma_wait3A_395 : memref<78x128xi32, #tpu.memory_space<vmem>>)
    %lt3A = arith.constant 4 : i32
    %lt3A_399 = arith.cmpi slt, %add3A, %lt3A : i32
    %convert_element_type3A = arith.extui %lt3A_399 : i1 to i32
    %cond3A = arith.constant 0 : i32
    %cond3A_400 = arith.cmpi ne, %convert_element_type3A, %cond3A : i32
    scf.if %cond3A_400 {
      %add3A_479 = arith.constant 2496 : i32
      %add3A_480 = arith.addi %add3A_479, %add3A : i32
      %run_scoped3A = arith.constant 0 : i32
      "tpu.region"() ({
        %run_scoped3A_484 = tpu.sem_alloc : memref<!tpu.dma_semaphore, #tpu.memory_space<semaphore_mem>>
        %dma_start3A_485 = arith.constant 78 : i32
        %dma_start3A_486 = arith.constant 0 : i32
        %dma_start3A_487 = tpu.memref_slice %arg5[%dma_start3A_485, %dma_start3A_486] : memref<79x128xi32, #tpu.memory_space<vmem>> -> memref<1x128xi32, #tpu.memory_space<vmem>>
        %dma_start3A_488 = arith.constant 0 : i32
        %dma_start3A_489 = tpu.memref_slice %arg3[%run_scoped3A, %add3A_480, %dma_start3A_488] : memref<2x2500x128xi32, #tpu.memory_space<hbm>> -> memref<1x1x128xi32, #tpu.memory_space<hbm>>
        %dma_start3A_490 = tpu.memref_squeeze %dma_start3A_489 : memref<1x1x128xi32, #tpu.memory_space<hbm>> -> memref<1x128xi32, #tpu.memory_space<hbm>>
        %dma_start3A_491 = arith.constant 78 : i32
        %dma_start3A_492 = arith.constant 0 : i32
        %dma_start3A_493 = tpu.memref_slice %arg5[%dma_start3A_491, %dma_start3A_492] : memref<79x128xi32, #tpu.memory_space<vmem>> -> memref<1x128xi32, #tpu.memory_space<vmem>>
        %dma_start3A_494 = arith.constant 0 : i32
        %dma_start3A_495 = tpu.memref_slice %arg3[%run_scoped3A, %add3A_480, %dma_start3A_494] : memref<2x2500x128xi32, #tpu.memory_space<hbm>> -> memref<1x1x128xi32, #tpu.memory_space<hbm>>
        %dma_start3A_496 = tpu.memref_squeeze %dma_start3A_495 : memref<1x1x128xi32, #tpu.memory_space<hbm>> -> memref<1x128xi32, #tpu.memory_space<hbm>>
        tpu.enqueue_dma source(%dma_start3A_496 : memref<1x128xi32, #tpu.memory_space<hbm>>) target(%dma_start3A_493 : memref<1x128xi32, #tpu.memory_space<vmem>>) target_semaphore(%run_scoped3A_484 : memref<!tpu.dma_semaphore, #tpu.memory_space<semaphore_mem>>)
        %dma_wait3A_497 = arith.constant 78 : i32
        %dma_wait3A_498 = arith.constant 0 : i32
        %dma_wait3A_499 = tpu.memref_slice %arg5[%dma_wait3A_497, %dma_wait3A_498] : memref<79x128xi32, #tpu.memory_space<vmem>> -> memref<1x128xi32, #tpu.memory_space<vmem>>
        %dma_wait3A_500 = arith.constant 0 : i32
        %dma_wait3A_501 = tpu.memref_slice %arg3[%run_scoped3A, %add3A_480, %dma_wait3A_500] : memref<2x2500x128xi32, #tpu.memory_space<hbm>> -> memref<1x1x128xi32, #tpu.memory_space<hbm>>
        %dma_wait3A_502 = tpu.memref_squeeze %dma_wait3A_501 : memref<1x1x128xi32, #tpu.memory_space<hbm>> -> memref<1x128xi32, #tpu.memory_space<hbm>>
        %dma_wait3A_503 = arith.constant 78 : i32
        %dma_wait3A_504 = arith.constant 0 : i32
        %dma_wait3A_505 = tpu.memref_slice %arg5[%dma_wait3A_503, %dma_wait3A_504] : memref<79x128xi32, #tpu.memory_space<vmem>> -> memref<1x128xi32, #tpu.memory_space<vmem>>
        %dma_wait3A_506 = arith.constant 0 : i32
        %dma_wait3A_507 = tpu.memref_slice %arg3[%run_scoped3A, %add3A_480, %dma_wait3A_506] : memref<2x2500x128xi32, #tpu.memory_space<hbm>> -> memref<1x1x128xi32, #tpu.memory_space<hbm>>
        %dma_wait3A_508 = tpu.memref_squeeze %dma_wait3A_507 : memref<1x1x128xi32, #tpu.memory_space<hbm>> -> memref<1x128xi32, #tpu.memory_space<hbm>>
        tpu.wait_dma2 semaphore(%run_scoped3A_484 : memref<!tpu.dma_semaphore, #tpu.memory_space<semaphore_mem>>) src(%dma_wait3A_508 : memref<1x128xi32, #tpu.memory_space<hbm>>) dst(%dma_wait3A_505 : memref<1x128xi32, #tpu.memory_space<vmem>>)
        tpu.yield
      }) : () -> ()
      %add3A_481 = arith.constant 2496 : i32
      %add3A_482 = arith.addi %add3A_481, %add3A : i32
      %run_scoped3A_483 = arith.constant 1 : i32
      "tpu.region"() ({
        %run_scoped3A_484 = tpu.sem_alloc : memref<!tpu.dma_semaphore, #tpu.memory_space<semaphore_mem>>
        %dma_start3A_485 = arith.constant 78 : i32
        %dma_start3A_486 = arith.constant 0 : i32
        %dma_start3A_487 = tpu.memref_slice %arg6[%dma_start3A_485, %dma_start3A_486] : memref<79x128xi32, #tpu.memory_space<vmem>> -> memref<1x128xi32, #tpu.memory_space<vmem>>
        %dma_start3A_488 = arith.constant 0 : i32
        %dma_start3A_489 = tpu.memref_slice %arg3[%run_scoped3A_483, %add3A_482, %dma_start3A_488] : memref<2x2500x128xi32, #tpu.memory_space<hbm>> -> memref<1x1x128xi32, #tpu.memory_space<hbm>>
        %dma_start3A_490 = tpu.memref_squeeze %dma_start3A_489 : memref<1x1x128xi32, #tpu.memory_space<hbm>> -> memref<1x128xi32, #tpu.memory_space<hbm>>
        %dma_start3A_491 = arith.constant 78 : i32
        %dma_start3A_492 = arith.constant 0 : i32
        %dma_start3A_493 = tpu.memref_slice %arg6[%dma_start3A_491, %dma_start3A_492] : memref<79x128xi32, #tpu.memory_space<vmem>> -> memref<1x128xi32, #tpu.memory_space<vmem>>
        %dma_start3A_494 = arith.constant 0 : i32
        %dma_start3A_495 = tpu.memref_slice %arg3[%run_scoped3A_483, %add3A_482, %dma_start3A_494] : memref<2x2500x128xi32, #tpu.memory_space<hbm>> -> memref<1x1x128xi32, #tpu.memory_space<hbm>>
        %dma_start3A_496 = tpu.memref_squeeze %dma_start3A_495 : memref<1x1x128xi32, #tpu.memory_space<hbm>> -> memref<1x128xi32, #tpu.memory_space<hbm>>
        tpu.enqueue_dma source(%dma_start3A_496 : memref<1x128xi32, #tpu.memory_space<hbm>>) target(%dma_start3A_493 : memref<1x128xi32, #tpu.memory_space<vmem>>) target_semaphore(%run_scoped3A_484 : memref<!tpu.dma_semaphore, #tpu.memory_space<semaphore_mem>>)
        %dma_wait3A_497 = arith.constant 78 : i32
        %dma_wait3A_498 = arith.constant 0 : i32
        %dma_wait3A_499 = tpu.memref_slice %arg6[%dma_wait3A_497, %dma_wait3A_498] : memref<79x128xi32, #tpu.memory_space<vmem>> -> memref<1x128xi32, #tpu.memory_space<vmem>>
        %dma_wait3A_500 = arith.constant 0 : i32
        %dma_wait3A_501 = tpu.memref_slice %arg3[%run_scoped3A_483, %add3A_482, %dma_wait3A_500] : memref<2x2500x128xi32, #tpu.memory_space<hbm>> -> memref<1x1x128xi32, #tpu.memory_space<hbm>>
        %dma_wait3A_502 = tpu.memref_squeeze %dma_wait3A_501 : memref<1x1x128xi32, #tpu.memory_space<hbm>> -> memref<1x128xi32, #tpu.memory_space<hbm>>
        %dma_wait3A_503 = arith.constant 78 : i32
        %dma_wait3A_504 = arith.constant 0 : i32
        %dma_wait3A_505 = tpu.memref_slice %arg6[%dma_wait3A_503, %dma_wait3A_504] : memref<79x128xi32, #tpu.memory_space<vmem>> -> memref<1x128xi32, #tpu.memory_space<vmem>>
        %dma_wait3A_506 = arith.constant 0 : i32
        %dma_wait3A_507 = tpu.memref_slice %arg3[%run_scoped3A_483, %add3A_482, %dma_wait3A_506] : memref<2x2500x128xi32, #tpu.memory_space<hbm>> -> memref<1x1x128xi32, #tpu.memory_space<hbm>>
        %dma_wait3A_508 = tpu.memref_squeeze %dma_wait3A_507 : memref<1x1x128xi32, #tpu.memory_space<hbm>> -> memref<1x128xi32, #tpu.memory_space<hbm>>
        tpu.wait_dma2 semaphore(%run_scoped3A_484 : memref<!tpu.dma_semaphore, #tpu.memory_space<semaphore_mem>>) src(%dma_wait3A_508 : memref<1x128xi32, #tpu.memory_space<hbm>>) dst(%dma_wait3A_505 : memref<1x128xi32, #tpu.memory_space<vmem>>)
        tpu.yield
      }) : () -> ()
    } else {
    }
    %broadcast_in_dim3A = arith.constant 0.000000e+00 : f32
    %broadcast_in_dim3A_401 = vector.broadcast %broadcast_in_dim3A : f32 to vector<16xf32>
    %scan3A = arith.constant 0 : i32
    %scan3A_402 = arith.constant 0 : i32
    %scan3A_403 = arith.constant 128 : i32
    %scan3A_404 = arith.addi %scan3A_402, %scan3A_403 : i32
    %scan3A_405 = arith.constant 1 : i32
    scf.for %scan3A_479 = %scan3A_402 to %scan3A_404 step %scan3A_405  : i32 {
      %swap3A = arith.constant 0 : i32
      %swap3A_480 = arith.index_cast %swap3A : i32 to index
      %swap3A_481 = arith.index_cast %scan3A_479 : i32 to index
      %swap3A_482 = arith.constant 0 : index
      %swap3A_483 = tpu.vector_load %arg7[%swap3A_480, %swap3A_481, %swap3A_482] {strides = array<i32>} : memref<2x128x16xf32, #tpu.memory_space<vmem>>, vector<1x1x16xf32>,
      %swap3A_484 = vector.shape_cast %swap3A_483 : vector<1x1x16xf32> to vector<16xf32>
      %swap3A_485 = vector.shape_cast %broadcast_in_dim3A_401 : vector<16xf32> to vector<1x1x16xf32>
      tpu.vector_store %arg7[%swap3A_480, %swap3A_481, %swap3A_482], %swap3A_485 {strides = array<i32>} : memref<2x128x16xf32, #tpu.memory_space<vmem>>, vector<1x1x16xf32>,
    }
    %scan3A_406 = arith.constant 128 : i32
    %scan3A_407 = arith.constant 0 : i32
    %scan3A_408 = arith.constant 0 : i32
    %scan3A_409 = arith.constant 5 : i32
    %scan3A_410 = arith.addi %scan3A_408, %scan3A_409 : i32
    %scan3A_411 = arith.constant 1 : i32
    scf.for %scan3A_479 = %scan3A_408 to %scan3A_410 step %scan3A_411  : i32 {
      %mul3A_480 = arith.constant 640 : i32
      %mul3A_481 = arith.muli %arg1, %mul3A_480 : i32
      %mul3A_482 = arith.constant 128 : i32
      %mul3A_483 = arith.muli %scan3A_479, %mul3A_482 : i32
      %add3A_484 = arith.addi %mul3A_481, %mul3A_483 : i32
      %run_scoped3A = arith.constant 0 : i32
      "tpu.region"() ({
        %run_scoped3A_485 = tpu.sem_alloc : memref<!tpu.dma_semaphore, #tpu.memory_space<semaphore_mem>>
        %dma_start3A_486 = arith.constant 0 : i32
        %dma_start3A_487 = arith.constant 0 : i32
        %dma_start3A_488 = tpu.memref_slice %arg7[%run_scoped3A, %dma_start3A_486, %dma_start3A_487] : memref<2x128x16xf32, #tpu.memory_space<vmem>> -> memref<1x128x16xf32, #tpu.memory_space<vmem>>
        %dma_start3A_489 = tpu.memref_squeeze %dma_start3A_488 : memref<1x128x16xf32, #tpu.memory_space<vmem>> -> memref<128x16xf32, #tpu.memory_space<vmem>>
        %dma_start3A_490 = arith.constant 0 : i32
        %dma_start3A_491 = tpu.memref_slice %arg9[%add3A_484, %dma_start3A_490] : memref<10240x16xf32, #tpu.memory_space<vmem_shared>> -> memref<128x16xf32, #tpu.memory_space<vmem_shared>>
        %dma_start3A_492 = arith.constant 0 : i32
        %dma_start3A_493 = tpu.memref_slice %arg9[%add3A_484, %dma_start3A_492] : memref<10240x16xf32, #tpu.memory_space<vmem_shared>> -> memref<128x16xf32, #tpu.memory_space<vmem_shared>>
        %dma_start3A_494 = arith.constant 0 : i32
        %dma_start3A_495 = arith.constant 0 : i32
        %dma_start3A_496 = tpu.memref_slice %arg7[%run_scoped3A, %dma_start3A_494, %dma_start3A_495] : memref<2x128x16xf32, #tpu.memory_space<vmem>> -> memref<1x128x16xf32, #tpu.memory_space<vmem>>
        %dma_start3A_497 = tpu.memref_squeeze %dma_start3A_496 : memref<1x128x16xf32, #tpu.memory_space<vmem>> -> memref<128x16xf32, #tpu.memory_space<vmem>>
        tpu.enqueue_dma source(%dma_start3A_497 : memref<128x16xf32, #tpu.memory_space<vmem>>) target(%dma_start3A_493 : memref<128x16xf32, #tpu.memory_space<vmem_shared>>) target_semaphore(%run_scoped3A_485 : memref<!tpu.dma_semaphore, #tpu.memory_space<semaphore_mem>>)
        %dma_wait3A_498 = arith.constant 0 : i32
        %dma_wait3A_499 = arith.constant 0 : i32
        %dma_wait3A_500 = tpu.memref_slice %arg7[%run_scoped3A, %dma_wait3A_498, %dma_wait3A_499] : memref<2x128x16xf32, #tpu.memory_space<vmem>> -> memref<1x128x16xf32, #tpu.memory_space<vmem>>
        %dma_wait3A_501 = tpu.memref_squeeze %dma_wait3A_500 : memref<1x128x16xf32, #tpu.memory_space<vmem>> -> memref<128x16xf32, #tpu.memory_space<vmem>>
        %dma_wait3A_502 = arith.constant 0 : i32
        %dma_wait3A_503 = tpu.memref_slice %arg9[%add3A_484, %dma_wait3A_502] : memref<10240x16xf32, #tpu.memory_space<vmem_shared>> -> memref<128x16xf32, #tpu.memory_space<vmem_shared>>
        %dma_wait3A_504 = arith.constant 0 : i32
        %dma_wait3A_505 = tpu.memref_slice %arg9[%add3A_484, %dma_wait3A_504] : memref<10240x16xf32, #tpu.memory_space<vmem_shared>> -> memref<128x16xf32, #tpu.memory_space<vmem_shared>>
        %dma_wait3A_506 = arith.constant 0 : i32
        %dma_wait3A_507 = arith.constant 0 : i32
        %dma_wait3A_508 = tpu.memref_slice %arg7[%run_scoped3A, %dma_wait3A_506, %dma_wait3A_507] : memref<2x128x16xf32, #tpu.memory_space<vmem>> -> memref<1x128x16xf32, #tpu.memory_space<vmem>>
        %dma_wait3A_509 = tpu.memref_squeeze %dma_wait3A_508 : memref<1x128x16xf32, #tpu.memory_space<vmem>> -> memref<128x16xf32, #tpu.memory_space<vmem>>
        tpu.wait_dma2 semaphore(%run_scoped3A_485 : memref<!tpu.dma_semaphore, #tpu.memory_space<semaphore_mem>>) src(%dma_wait3A_509 : memref<128x16xf32, #tpu.memory_space<vmem>>) dst(%dma_wait3A_505 : memref<128x16xf32, #tpu.memory_space<vmem_shared>>)
        tpu.yield
      }) : () -> ()
    }
    %scan3A_412 = arith.constant 5 : i32
    %barrier3A = arith.constant 0 : index
    tpu.barrier barrier_id(%barrier3A)
    %dma_start3A_413 = arith.constant 0 : i32
    %dma_start3A_414 = arith.constant 0 : i32
    %dma_start3A_415 = arith.constant 0 : i32
    %dma_start3A_416 = arith.constant 0 : i32
    %dma_start3A_417 = tpu.memref_slice %arg7[%dma_start3A_414, %dma_start3A_415, %dma_start3A_416] : memref<2x128x16xf32, #tpu.memory_space<vmem>> -> memref<1x128x16xf32, #tpu.memory_space<vmem>>
    %dma_start3A_418 = tpu.memref_squeeze %dma_start3A_417 : memref<1x128x16xf32, #tpu.memory_space<vmem>> -> memref<128x16xf32, #tpu.memory_space<vmem>>
    %dma_start3A_419 = arith.constant 0 : i32
    %dma_start3A_420 = tpu.memref_slice %arg5[%dma_start3A_413, %dma_start3A_419] : memref<79x128xi32, #tpu.memory_space<vmem>> -> memref<1x128xi32, #tpu.memory_space<vmem>>
    %dma_start3A_421 = tpu.memref_squeeze %dma_start3A_420 : memref<1x128xi32, #tpu.memory_space<vmem>> -> memref<128xi32, #tpu.memory_space<vmem>>
    %dma_start3A_422 = arith.constant 0 : i32
    %dma_start3A_423 = arith.constant 0 : i32
    %dma_start3A_424 = tpu.memref_slice %arg8[%dma_start3A_422, %dma_start3A_423] : memref<10240x16xf32, #tpu.memory_space<vmem_shared>> -> memref<10240x16xf32, #tpu.memory_space<vmem_shared>>
    tpu.enqueue_indirect_dma source(%dma_start3A_424 : memref<10240x16xf32, #tpu.memory_space<vmem_shared>>) target(%dma_start3A_418 : memref<128x16xf32, #tpu.memory_space<vmem>>) offsets(%dma_start3A_421 : memref<128xi32, #tpu.memory_space<vmem>>) semaphore(%arg10 : memref<!tpu.dma_semaphore, #tpu.memory_space<semaphore_mem>>)
    %dma_start3A_425 = arith.constant 1 : i32
    %dma_start3A_426 = arith.constant 1 : i32
    %dma_start3A_427 = arith.constant 0 : i32
    %dma_start3A_428 = arith.constant 0 : i32
    %dma_start3A_429 = tpu.memref_slice %arg7[%dma_start3A_426, %dma_start3A_427, %dma_start3A_428] : memref<2x128x16xf32, #tpu.memory_space<vmem>> -> memref<1x128x16xf32, #tpu.memory_space<vmem>>
    %dma_start3A_430 = tpu.memref_squeeze %dma_start3A_429 : memref<1x128x16xf32, #tpu.memory_space<vmem>> -> memref<128x16xf32, #tpu.memory_space<vmem>>
    %dma_start3A_431 = arith.constant 0 : i32
    %dma_start3A_432 = tpu.memref_slice %arg5[%dma_start3A_425, %dma_start3A_431] : memref<79x128xi32, #tpu.memory_space<vmem>> -> memref<1x128xi32, #tpu.memory_space<vmem>>
    %dma_start3A_433 = tpu.memref_squeeze %dma_start3A_432 : memref<1x128xi32, #tpu.memory_space<vmem>> -> memref<128xi32, #tpu.memory_space<vmem>>
    %dma_start3A_434 = arith.constant 0 : i32
    %dma_start3A_435 = arith.constant 0 : i32
    %dma_start3A_436 = tpu.memref_slice %arg8[%dma_start3A_434, %dma_start3A_435] : memref<10240x16xf32, #tpu.memory_space<vmem_shared>> -> memref<10240x16xf32, #tpu.memory_space<vmem_shared>>
    tpu.enqueue_indirect_dma source(%dma_start3A_436 : memref<10240x16xf32, #tpu.memory_space<vmem_shared>>) target(%dma_start3A_430 : memref<128x16xf32, #tpu.memory_space<vmem>>) offsets(%dma_start3A_433 : memref<128xi32, #tpu.memory_space<vmem>>) semaphore(%arg11 : memref<!tpu.dma_semaphore, #tpu.memory_space<semaphore_mem>>)
    %scan3A_437 = arith.constant 0 : i32
    %scan3A_438 = arith.constant 0 : i32
    %scan3A_439 = arith.constant 39 : i32
    %scan3A_440 = arith.addi %scan3A_438, %scan3A_439 : i32
    %scan3A_441 = arith.constant 1 : i32
    scf.for %scan3A_479 = %scan3A_438 to %scan3A_440 step %scan3A_441  : i32 {
      %mul3A_480 = arith.constant 2 : i32
      %mul3A_481 = arith.muli %mul3A_480, %scan3A_479 : i32
      %dma_wait3A_482 = arith.constant 0 : i32
      %dma_wait3A_483 = arith.constant 0 : i32
      %dma_wait3A_484 = arith.constant 0 : i32
      %dma_wait3A_485 = tpu.memref_slice %arg7[%dma_wait3A_482, %dma_wait3A_483, %dma_wait3A_484] : memref<2x128x16xf32, #tpu.memory_space<vmem>> -> memref<1x128x16xf32, #tpu.memory_space<vmem>>
      %dma_wait3A_486 = tpu.memref_squeeze %dma_wait3A_485 : memref<1x128x16xf32, #tpu.memory_space<vmem>> -> memref<128x16xf32, #tpu.memory_space<vmem>>
      %dma_wait3A_487 = arith.constant 0 : i32
      %dma_wait3A_488 = tpu.memref_slice %arg5[%mul3A_481, %dma_wait3A_487] : memref<79x128xi32, #tpu.memory_space<vmem>> -> memref<1x128xi32, #tpu.memory_space<vmem>>
      %dma_wait3A_489 = tpu.memref_squeeze %dma_wait3A_488 : memref<1x128xi32, #tpu.memory_space<vmem>> -> memref<128xi32, #tpu.memory_space<vmem>>
      %dma_wait3A_490 = arith.constant 0 : i32
      %dma_wait3A_491 = arith.constant 0 : i32
      %dma_wait3A_492 = tpu.memref_slice %arg8[%dma_wait3A_490, %dma_wait3A_491] : memref<10240x16xf32, #tpu.memory_space<vmem_shared>> -> memref<10240x16xf32, #tpu.memory_space<vmem_shared>>
      tpu.wait_indirect_dma semaphore(%arg10 : memref<!tpu.dma_semaphore, #tpu.memory_space<semaphore_mem>>) src(%dma_wait3A_492 : memref<10240x16xf32, #tpu.memory_space<vmem_shared>>) dst(%dma_wait3A_486 : memref<128x16xf32, #tpu.memory_space<vmem>>)
      %dma_start3A_493 = arith.constant 0 : i32
      %dma_start3A_494 = arith.constant 0 : i32
      %dma_start3A_495 = arith.constant 0 : i32
      %dma_start3A_496 = tpu.memref_slice %arg7[%dma_start3A_493, %dma_start3A_494, %dma_start3A_495] : memref<2x128x16xf32, #tpu.memory_space<vmem>> -> memref<1x128x16xf32, #tpu.memory_space<vmem>>
      %dma_start3A_497 = tpu.memref_squeeze %dma_start3A_496 : memref<1x128x16xf32, #tpu.memory_space<vmem>> -> memref<128x16xf32, #tpu.memory_space<vmem>>
      %dma_start3A_498 = arith.constant 0 : i32
      %dma_start3A_499 = tpu.memref_slice %arg6[%mul3A_481, %dma_start3A_498] : memref<79x128xi32, #tpu.memory_space<vmem>> -> memref<1x128xi32, #tpu.memory_space<vmem>>
      %dma_start3A_500 = tpu.memref_squeeze %dma_start3A_499 : memref<1x128xi32, #tpu.memory_space<vmem>> -> memref<128xi32, #tpu.memory_space<vmem>>
      %dma_start3A_501 = arith.constant 0 : i32
      %dma_start3A_502 = arith.constant 0 : i32
      %dma_start3A_503 = tpu.memref_slice %arg9[%dma_start3A_501, %dma_start3A_502] : memref<10240x16xf32, #tpu.memory_space<vmem_shared>> -> memref<10240x16xf32, #tpu.memory_space<vmem_shared>>
      tpu.enqueue_indirect_dma source(%dma_start3A_497 : memref<128x16xf32, #tpu.memory_space<vmem>>) target(%dma_start3A_503 : memref<10240x16xf32, #tpu.memory_space<vmem_shared>>) offsets(%dma_start3A_500 : memref<128xi32, #tpu.memory_space<vmem>>) semaphore(%arg12 : memref<!tpu.dma_semaphore, #tpu.memory_space<semaphore_mem>>) {add = true}
      %add3A_504 = arith.constant 1 : i32
      %add3A_505 = arith.addi %mul3A_481, %add3A_504 : i32
      %dma_wait3A_506 = arith.constant 1 : i32
      %dma_wait3A_507 = arith.constant 0 : i32
      %dma_wait3A_508 = arith.constant 0 : i32
      %dma_wait3A_509 = tpu.memref_slice %arg7[%dma_wait3A_506, %dma_wait3A_507, %dma_wait3A_508] : memref<2x128x16xf32, #tpu.memory_space<vmem>> -> memref<1x128x16xf32, #tpu.memory_space<vmem>>
      %dma_wait3A_510 = tpu.memref_squeeze %dma_wait3A_509 : memref<1x128x16xf32, #tpu.memory_space<vmem>> -> memref<128x16xf32, #tpu.memory_space<vmem>>
      %dma_wait3A_511 = arith.constant 0 : i32
      %dma_wait3A_512 = tpu.memref_slice %arg5[%add3A_505, %dma_wait3A_511] : memref<79x128xi32, #tpu.memory_space<vmem>> -> memref<1x128xi32, #tpu.memory_space<vmem>>
      %dma_wait3A_513 = tpu.memref_squeeze %dma_wait3A_512 : memref<1x128xi32, #tpu.memory_space<vmem>> -> memref<128xi32, #tpu.memory_space<vmem>>
      %dma_wait3A_514 = arith.constant 0 : i32
      %dma_wait3A_515 = arith.constant 0 : i32
      %dma_wait3A_516 = tpu.memref_slice %arg8[%dma_wait3A_514, %dma_wait3A_515] : memref<10240x16xf32, #tpu.memory_space<vmem_shared>> -> memref<10240x16xf32, #tpu.memory_space<vmem_shared>>
      tpu.wait_indirect_dma semaphore(%arg11 : memref<!tpu.dma_semaphore, #tpu.memory_space<semaphore_mem>>) src(%dma_wait3A_516 : memref<10240x16xf32, #tpu.memory_space<vmem_shared>>) dst(%dma_wait3A_510 : memref<128x16xf32, #tpu.memory_space<vmem>>)
      %add3A_517 = arith.constant 1 : i32
      %add3A_518 = arith.addi %mul3A_481, %add3A_517 : i32
      %dma_start3A_519 = arith.constant 1 : i32
      %dma_start3A_520 = arith.constant 0 : i32
      %dma_start3A_521 = arith.constant 0 : i32
      %dma_start3A_522 = tpu.memref_slice %arg7[%dma_start3A_519, %dma_start3A_520, %dma_start3A_521] : memref<2x128x16xf32, #tpu.memory_space<vmem>> -> memref<1x128x16xf32, #tpu.memory_space<vmem>>
      %dma_start3A_523 = tpu.memref_squeeze %dma_start3A_522 : memref<1x128x16xf32, #tpu.memory_space<vmem>> -> memref<128x16xf32, #tpu.memory_space<vmem>>
      %dma_start3A_524 = arith.constant 0 : i32
      %dma_start3A_525 = tpu.memref_slice %arg6[%add3A_518, %dma_start3A_524] : memref<79x128xi32, #tpu.memory_space<vmem>> -> memref<1x128xi32, #tpu.memory_space<vmem>>
      %dma_start3A_526 = tpu.memref_squeeze %dma_start3A_525 : memref<1x128xi32, #tpu.memory_space<vmem>> -> memref<128xi32, #tpu.memory_space<vmem>>
      %dma_start3A_527 = arith.constant 0 : i32
      %dma_start3A_528 = arith.constant 0 : i32
      %dma_start3A_529 = tpu.memref_slice %arg9[%dma_start3A_527, %dma_start3A_528] : memref<10240x16xf32, #tpu.memory_space<vmem_shared>> -> memref<10240x16xf32, #tpu.memory_space<vmem_shared>>
      tpu.enqueue_indirect_dma source(%dma_start3A_523 : memref<128x16xf32, #tpu.memory_space<vmem>>) target(%dma_start3A_529 : memref<10240x16xf32, #tpu.memory_space<vmem_shared>>) offsets(%dma_start3A_526 : memref<128xi32, #tpu.memory_space<vmem>>) semaphore(%arg13 : memref<!tpu.dma_semaphore, #tpu.memory_space<semaphore_mem>>) {add = true}
      %add3A_530 = arith.constant 1 : i32
      %add3A_531 = arith.addi %scan3A_479, %add3A_530 : i32
      %lt3A_532 = arith.constant 39 : i32
      %lt3A_533 = arith.cmpi slt, %add3A_531, %lt3A_532 : i32
      %convert_element_type3A_534 = arith.extui %lt3A_533 : i1 to i32
      %cond3A_535 = arith.constant 0 : i32
      %cond3A_536 = arith.cmpi ne, %convert_element_type3A_534, %cond3A_535 : i32
      scf.if %cond3A_536 {
        %dma_wait3A_537 = arith.constant 0 : i32
        %dma_wait3A_538 = arith.constant 0 : i32
        %dma_wait3A_539 = arith.constant 0 : i32
        %dma_wait3A_540 = tpu.memref_slice %arg7[%dma_wait3A_537, %dma_wait3A_538, %dma_wait3A_539] : memref<2x128x16xf32, #tpu.memory_space<vmem>> -> memref<1x128x16xf32, #tpu.memory_space<vmem>>
        %dma_wait3A_541 = tpu.memref_squeeze %dma_wait3A_540 : memref<1x128x16xf32, #tpu.memory_space<vmem>> -> memref<128x16xf32, #tpu.memory_space<vmem>>
        %dma_wait3A_542 = arith.constant 0 : i32
        %dma_wait3A_543 = tpu.memref_slice %arg6[%mul3A_481, %dma_wait3A_542] : memref<79x128xi32, #tpu.memory_space<vmem>> -> memref<1x128xi32, #tpu.memory_space<vmem>>
        %dma_wait3A_544 = tpu.memref_squeeze %dma_wait3A_543 : memref<1x128xi32, #tpu.memory_space<vmem>> -> memref<128xi32, #tpu.memory_space<vmem>>
        %dma_wait3A_545 = arith.constant 0 : i32
        %dma_wait3A_546 = arith.constant 0 : i32
        %dma_wait3A_547 = tpu.memref_slice %arg9[%dma_wait3A_545, %dma_wait3A_546] : memref<10240x16xf32, #tpu.memory_space<vmem_shared>> -> memref<10240x16xf32, #tpu.memory_space<vmem_shared>>
        tpu.wait_indirect_dma semaphore(%arg12 : memref<!tpu.dma_semaphore, #tpu.memory_space<semaphore_mem>>) src(%dma_wait3A_541 : memref<128x16xf32, #tpu.memory_space<vmem>>) dst(%dma_wait3A_547 : memref<10240x16xf32, #tpu.memory_space<vmem_shared>>)
        %add3A_548 = arith.constant 2 : i32
        %add3A_549 = arith.addi %mul3A_481, %add3A_548 : i32
        %dma_start3A_550 = arith.constant 0 : i32
        %dma_start3A_551 = arith.constant 0 : i32
        %dma_start3A_552 = arith.constant 0 : i32
        %dma_start3A_553 = tpu.memref_slice %arg7[%dma_start3A_550, %dma_start3A_551, %dma_start3A_552] : memref<2x128x16xf32, #tpu.memory_space<vmem>> -> memref<1x128x16xf32, #tpu.memory_space<vmem>>
        %dma_start3A_554 = tpu.memref_squeeze %dma_start3A_553 : memref<1x128x16xf32, #tpu.memory_space<vmem>> -> memref<128x16xf32, #tpu.memory_space<vmem>>
        %dma_start3A_555 = arith.constant 0 : i32
        %dma_start3A_556 = tpu.memref_slice %arg5[%add3A_549, %dma_start3A_555] : memref<79x128xi32, #tpu.memory_space<vmem>> -> memref<1x128xi32, #tpu.memory_space<vmem>>
        %dma_start3A_557 = tpu.memref_squeeze %dma_start3A_556 : memref<1x128xi32, #tpu.memory_space<vmem>> -> memref<128xi32, #tpu.memory_space<vmem>>
        %dma_start3A_558 = arith.constant 0 : i32
        %dma_start3A_559 = arith.constant 0 : i32
        %dma_start3A_560 = tpu.memref_slice %arg8[%dma_start3A_558, %dma_start3A_559] : memref<10240x16xf32, #tpu.memory_space<vmem_shared>> -> memref<10240x16xf32, #tpu.memory_space<vmem_shared>>
        tpu.enqueue_indirect_dma source(%dma_start3A_560 : memref<10240x16xf32, #tpu.memory_space<vmem_shared>>) target(%dma_start3A_554 : memref<128x16xf32, #tpu.memory_space<vmem>>) offsets(%dma_start3A_557 : memref<128xi32, #tpu.memory_space<vmem>>) semaphore(%arg10 : memref<!tpu.dma_semaphore, #tpu.memory_space<semaphore_mem>>)
        %add3A_561 = arith.constant 1 : i32
        %add3A_562 = arith.addi %mul3A_481, %add3A_561 : i32
        %dma_wait3A_563 = arith.constant 1 : i32
        %dma_wait3A_564 = arith.constant 0 : i32
        %dma_wait3A_565 = arith.constant 0 : i32
        %dma_wait3A_566 = tpu.memref_slice %arg7[%dma_wait3A_563, %dma_wait3A_564, %dma_wait3A_565] : memref<2x128x16xf32, #tpu.memory_space<vmem>> -> memref<1x128x16xf32, #tpu.memory_space<vmem>>
        %dma_wait3A_567 = tpu.memref_squeeze %dma_wait3A_566 : memref<1x128x16xf32, #tpu.memory_space<vmem>> -> memref<128x16xf32, #tpu.memory_space<vmem>>
        %dma_wait3A_568 = arith.constant 0 : i32
        %dma_wait3A_569 = tpu.memref_slice %arg6[%add3A_562, %dma_wait3A_568] : memref<79x128xi32, #tpu.memory_space<vmem>> -> memref<1x128xi32, #tpu.memory_space<vmem>>
        %dma_wait3A_570 = tpu.memref_squeeze %dma_wait3A_569 : memref<1x128xi32, #tpu.memory_space<vmem>> -> memref<128xi32, #tpu.memory_space<vmem>>
        %dma_wait3A_571 = arith.constant 0 : i32
        %dma_wait3A_572 = arith.constant 0 : i32
        %dma_wait3A_573 = tpu.memref_slice %arg9[%dma_wait3A_571, %dma_wait3A_572] : memref<10240x16xf32, #tpu.memory_space<vmem_shared>> -> memref<10240x16xf32, #tpu.memory_space<vmem_shared>>
        tpu.wait_indirect_dma semaphore(%arg13 : memref<!tpu.dma_semaphore, #tpu.memory_space<semaphore_mem>>) src(%dma_wait3A_567 : memref<128x16xf32, #tpu.memory_space<vmem>>) dst(%dma_wait3A_573 : memref<10240x16xf32, #tpu.memory_space<vmem_shared>>)
        %add3A_574 = arith.constant 3 : i32
        %add3A_575 = arith.addi %mul3A_481, %add3A_574 : i32
        %dma_start3A_576 = arith.constant 1 : i32
        %dma_start3A_577 = arith.constant 0 : i32
        %dma_start3A_578 = arith.constant 0 : i32
        %dma_start3A_579 = tpu.memref_slice %arg7[%dma_start3A_576, %dma_start3A_577, %dma_start3A_578] : memref<2x128x16xf32, #tpu.memory_space<vmem>> -> memref<1x128x16xf32, #tpu.memory_space<vmem>>
        %dma_start3A_580 = tpu.memref_squeeze %dma_start3A_579 : memref<1x128x16xf32, #tpu.memory_space<vmem>> -> memref<128x16xf32, #tpu.memory_space<vmem>>
        %dma_start3A_581 = arith.constant 0 : i32
        %dma_start3A_582 = tpu.memref_slice %arg5[%add3A_575, %dma_start3A_581] : memref<79x128xi32, #tpu.memory_space<vmem>> -> memref<1x128xi32, #tpu.memory_space<vmem>>
        %dma_start3A_583 = tpu.memref_squeeze %dma_start3A_582 : memref<1x128xi32, #tpu.memory_space<vmem>> -> memref<128xi32, #tpu.memory_space<vmem>>
        %dma_start3A_584 = arith.constant 0 : i32
        %dma_start3A_585 = arith.constant 0 : i32
        %dma_start3A_586 = tpu.memref_slice %arg8[%dma_start3A_584, %dma_start3A_585] : memref<10240x16xf32, #tpu.memory_space<vmem_shared>> -> memref<10240x16xf32, #tpu.memory_space<vmem_shared>>
        tpu.enqueue_indirect_dma source(%dma_start3A_586 : memref<10240x16xf32, #tpu.memory_space<vmem_shared>>) target(%dma_start3A_580 : memref<128x16xf32, #tpu.memory_space<vmem>>) offsets(%dma_start3A_583 : memref<128xi32, #tpu.memory_space<vmem>>) semaphore(%arg11 : memref<!tpu.dma_semaphore, #tpu.memory_space<semaphore_mem>>)
      } else {
      }
    }
    %scan3A_442 = arith.constant 39 : i32
    %dma_wait3A_443 = arith.constant 0 : i32
    %dma_wait3A_444 = arith.constant 76 : i32
    %dma_wait3A_445 = arith.constant 0 : i32
    %dma_wait3A_446 = arith.constant 0 : i32
    %dma_wait3A_447 = tpu.memref_slice %arg7[%dma_wait3A_443, %dma_wait3A_445, %dma_wait3A_446] : memref<2x128x16xf32, #tpu.memory_space<vmem>> -> memref<1x128x16xf32, #tpu.memory_space<vmem>>
    %dma_wait3A_448 = tpu.memref_squeeze %dma_wait3A_447 : memref<1x128x16xf32, #tpu.memory_space<vmem>> -> memref<128x16xf32, #tpu.memory_space<vmem>>
    %dma_wait3A_449 = arith.constant 0 : i32
    %dma_wait3A_450 = tpu.memref_slice %arg6[%dma_wait3A_444, %dma_wait3A_449] : memref<79x128xi32, #tpu.memory_space<vmem>> -> memref<1x128xi32, #tpu.memory_space<vmem>>
    %dma_wait3A_451 = tpu.memref_squeeze %dma_wait3A_450 : memref<1x128xi32, #tpu.memory_space<vmem>> -> memref<128xi32, #tpu.memory_space<vmem>>
    %dma_wait3A_452 = arith.constant 0 : i32
    %dma_wait3A_453 = arith.constant 0 : i32
    %dma_wait3A_454 = tpu.memref_slice %arg9[%dma_wait3A_452, %dma_wait3A_453] : memref<10240x16xf32, #tpu.memory_space<vmem_shared>> -> memref<10240x16xf32, #tpu.memory_space<vmem_shared>>
    tpu.wait_indirect_dma semaphore(%arg12 : memref<!tpu.dma_semaphore, #tpu.memory_space<semaphore_mem>>) src(%dma_wait3A_448 : memref<128x16xf32, #tpu.memory_space<vmem>>) dst(%dma_wait3A_454 : memref<10240x16xf32, #tpu.memory_space<vmem_shared>>)
    %dma_wait3A_455 = arith.constant 1 : i32
    %dma_wait3A_456 = arith.constant 77 : i32
    %dma_wait3A_457 = arith.constant 0 : i32
    %dma_wait3A_458 = arith.constant 0 : i32
    %dma_wait3A_459 = tpu.memref_slice %arg7[%dma_wait3A_455, %dma_wait3A_457, %dma_wait3A_458] : memref<2x128x16xf32, #tpu.memory_space<vmem>> -> memref<1x128x16xf32, #tpu.memory_space<vmem>>
    %dma_wait3A_460 = tpu.memref_squeeze %dma_wait3A_459 : memref<1x128x16xf32, #tpu.memory_space<vmem>> -> memref<128x16xf32, #tpu.memory_space<vmem>>
    %dma_wait3A_461 = arith.constant 0 : i32
    %dma_wait3A_462 = tpu.memref_slice %arg6[%dma_wait3A_456, %dma_wait3A_461] : memref<79x128xi32, #tpu.memory_space<vmem>> -> memref<1x128xi32, #tpu.memory_space<vmem>>
    %dma_wait3A_463 = tpu.memref_squeeze %dma_wait3A_462 : memref<1x128xi32, #tpu.memory_space<vmem>> -> memref<128xi32, #tpu.memory_space<vmem>>
    %dma_wait3A_464 = arith.constant 0 : i32
    %dma_wait3A_465 = arith.constant 0 : i32
    %dma_wait3A_466 = tpu.memref_slice %arg9[%dma_wait3A_464, %dma_wait3A_465] : memref<10240x16xf32, #tpu.memory_space<vmem_shared>> -> memref<10240x16xf32, #tpu.memory_space<vmem_shared>>
    tpu.wait_indirect_dma semaphore(%arg13 : memref<!tpu.dma_semaphore, #tpu.memory_space<semaphore_mem>>) src(%dma_wait3A_460 : memref<128x16xf32, #tpu.memory_space<vmem>>) dst(%dma_wait3A_466 : memref<10240x16xf32, #tpu.memory_space<vmem_shared>>)
    %lt3A_467 = arith.constant 4 : i32
    %lt3A_468 = arith.cmpi slt, %add3A, %lt3A_467 : i32
    %convert_element_type3A_469 = arith.extui %lt3A_468 : i1 to i32
    %cond3A_470 = arith.constant 0 : i32
    %cond3A_471 = arith.cmpi ne, %convert_element_type3A_469, %cond3A_470 : i32
    scf.if %cond3A_471 {
      %dma_start3A_479 = arith.constant 78 : i32
      %dma_start3A_480 = arith.constant 0 : i32
      %dma_start3A_481 = arith.constant 0 : i32
      %dma_start3A_482 = arith.constant 0 : i32
      %dma_start3A_483 = tpu.memref_slice %arg7[%dma_start3A_480, %dma_start3A_481, %dma_start3A_482] : memref<2x128x16xf32, #tpu.memory_space<vmem>> -> memref<1x128x16xf32, #tpu.memory_space<vmem>>
      %dma_start3A_484 = tpu.memref_squeeze %dma_start3A_483 : memref<1x128x16xf32, #tpu.memory_space<vmem>> -> memref<128x16xf32, #tpu.memory_space<vmem>>
      %dma_start3A_485 = arith.constant 0 : i32
      %dma_start3A_486 = tpu.memref_slice %arg5[%dma_start3A_479, %dma_start3A_485] : memref<79x128xi32, #tpu.memory_space<vmem>> -> memref<1x128xi32, #tpu.memory_space<vmem>>
      %dma_start3A_487 = tpu.memref_squeeze %dma_start3A_486 : memref<1x128xi32, #tpu.memory_space<vmem>> -> memref<128xi32, #tpu.memory_space<vmem>>
      %dma_start3A_488 = arith.constant 0 : i32
      %dma_start3A_489 = arith.constant 0 : i32
      %dma_start3A_490 = tpu.memref_slice %arg8[%dma_start3A_488, %dma_start3A_489] : memref<10240x16xf32, #tpu.memory_space<vmem_shared>> -> memref<10240x16xf32, #tpu.memory_space<vmem_shared>>
      tpu.enqueue_indirect_dma source(%dma_start3A_490 : memref<10240x16xf32, #tpu.memory_space<vmem_shared>>) target(%dma_start3A_484 : memref<128x16xf32, #tpu.memory_space<vmem>>) offsets(%dma_start3A_487 : memref<128xi32, #tpu.memory_space<vmem>>) semaphore(%arg10 : memref<!tpu.dma_semaphore, #tpu.memory_space<semaphore_mem>>)
      %dma_wait3A_491 = arith.constant 78 : i32
      %dma_wait3A_492 = arith.constant 0 : i32
      %dma_wait3A_493 = arith.constant 0 : i32
      %dma_wait3A_494 = arith.constant 0 : i32
      %dma_wait3A_495 = tpu.memref_slice %arg7[%dma_wait3A_492, %dma_wait3A_493, %dma_wait3A_494] : memref<2x128x16xf32, #tpu.memory_space<vmem>> -> memref<1x128x16xf32, #tpu.memory_space<vmem>>
      %dma_wait3A_496 = tpu.memref_squeeze %dma_wait3A_495 : memref<1x128x16xf32, #tpu.memory_space<vmem>> -> memref<128x16xf32, #tpu.memory_space<vmem>>
      %dma_wait3A_497 = arith.constant 0 : i32
      %dma_wait3A_498 = tpu.memref_slice %arg5[%dma_wait3A_491, %dma_wait3A_497] : memref<79x128xi32, #tpu.memory_space<vmem>> -> memref<1x128xi32, #tpu.memory_space<vmem>>
      %dma_wait3A_499 = tpu.memref_squeeze %dma_wait3A_498 : memref<1x128xi32, #tpu.memory_space<vmem>> -> memref<128xi32, #tpu.memory_space<vmem>>
      %dma_wait3A_500 = arith.constant 0 : i32
      %dma_wait3A_501 = arith.constant 0 : i32
      %dma_wait3A_502 = tpu.memref_slice %arg8[%dma_wait3A_500, %dma_wait3A_501] : memref<10240x16xf32, #tpu.memory_space<vmem_shared>> -> memref<10240x16xf32, #tpu.memory_space<vmem_shared>>
      tpu.wait_indirect_dma semaphore(%arg10 : memref<!tpu.dma_semaphore, #tpu.memory_space<semaphore_mem>>) src(%dma_wait3A_502 : memref<10240x16xf32, #tpu.memory_space<vmem_shared>>) dst(%dma_wait3A_496 : memref<128x16xf32, #tpu.memory_space<vmem>>)
      %run_scoped3A = arith.constant 0 : i32
      %run_scoped3A_503 = arith.constant 78 : i32
      "tpu.region"() ({
        %run_scoped3A_504 = tpu.sem_alloc : memref<!tpu.dma_semaphore, #tpu.memory_space<semaphore_mem>>
        %dma_start3A_505 = arith.constant 0 : i32
        %dma_start3A_506 = arith.constant 0 : i32
        %dma_start3A_507 = tpu.memref_slice %arg7[%run_scoped3A, %dma_start3A_505, %dma_start3A_506] : memref<2x128x16xf32, #tpu.memory_space<vmem>> -> memref<1x128x16xf32, #tpu.memory_space<vmem>>
        %dma_start3A_508 = tpu.memref_squeeze %dma_start3A_507 : memref<1x128x16xf32, #tpu.memory_space<vmem>> -> memref<128x16xf32, #tpu.memory_space<vmem>>
        %dma_start3A_509 = arith.constant 0 : i32
        %dma_start3A_510 = tpu.memref_slice %arg6[%run_scoped3A_503, %dma_start3A_509] : memref<79x128xi32, #tpu.memory_space<vmem>> -> memref<1x128xi32, #tpu.memory_space<vmem>>
        %dma_start3A_511 = tpu.memref_squeeze %dma_start3A_510 : memref<1x128xi32, #tpu.memory_space<vmem>> -> memref<128xi32, #tpu.memory_space<vmem>>
        %dma_start3A_512 = arith.constant 0 : i32
        %dma_start3A_513 = arith.constant 0 : i32
        %dma_start3A_514 = tpu.memref_slice %arg9[%dma_start3A_512, %dma_start3A_513] : memref<10240x16xf32, #tpu.memory_space<vmem_shared>> -> memref<10240x16xf32, #tpu.memory_space<vmem_shared>>
        tpu.enqueue_indirect_dma source(%dma_start3A_508 : memref<128x16xf32, #tpu.memory_space<vmem>>) target(%dma_start3A_514 : memref<10240x16xf32, #tpu.memory_space<vmem_shared>>) offsets(%dma_start3A_511 : memref<128xi32, #tpu.memory_space<vmem>>) semaphore(%run_scoped3A_504 : memref<!tpu.dma_semaphore, #tpu.memory_space<semaphore_mem>>) {add = true}
        %dma_wait3A_515 = arith.constant 0 : i32
        %dma_wait3A_516 = arith.constant 0 : i32
        %dma_wait3A_517 = tpu.memref_slice %arg7[%run_scoped3A, %dma_wait3A_515, %dma_wait3A_516] : memref<2x128x16xf32, #tpu.memory_space<vmem>> -> memref<1x128x16xf32, #tpu.memory_space<vmem>>
        %dma_wait3A_518 = tpu.memref_squeeze %dma_wait3A_517 : memref<1x128x16xf32, #tpu.memory_space<vmem>> -> memref<128x16xf32, #tpu.memory_space<vmem>>
        %dma_wait3A_519 = arith.constant 0 : i32
        %dma_wait3A_520 = tpu.memref_slice %arg6[%run_scoped3A_503, %dma_wait3A_519] : memref<79x128xi32, #tpu.memory_space<vmem>> -> memref<1x128xi32, #tpu.memory_space<vmem>>
        %dma_wait3A_521 = tpu.memref_squeeze %dma_wait3A_520 : memref<1x128xi32, #tpu.memory_space<vmem>> -> memref<128xi32, #tpu.memory_space<vmem>>
        %dma_wait3A_522 = arith.constant 0 : i32
        %dma_wait3A_523 = arith.constant 0 : i32
        %dma_wait3A_524 = tpu.memref_slice %arg9[%dma_wait3A_522, %dma_wait3A_523] : memref<10240x16xf32, #tpu.memory_space<vmem_shared>> -> memref<10240x16xf32, #tpu.memory_space<vmem_shared>>
        tpu.wait_indirect_dma semaphore(%run_scoped3A_504 : memref<!tpu.dma_semaphore, #tpu.memory_space<semaphore_mem>>) src(%dma_wait3A_518 : memref<128x16xf32, #tpu.memory_space<vmem>>) dst(%dma_wait3A_524 : memref<10240x16xf32, #tpu.memory_space<vmem_shared>>)
        tpu.yield
      }) : () -> ()
    } else {
    }
    %barrier3A_472 = arith.constant 0 : index
    tpu.barrier barrier_id(%barrier3A_472)
    %scan3A_473 = arith.constant 0 : i32
    %scan3A_474 = arith.constant 0 : i32
    %scan3A_475 = arith.constant 5 : i32
    %scan3A_476 = arith.addi %scan3A_474, %scan3A_475 : i32
    %scan3A_477 = arith.constant 1 : i32
    scf.for %scan3A_479 = %scan3A_474 to %scan3A_476 step %scan3A_477  : i32 {
      %mul3A_480 = arith.constant 640 : i32
      %mul3A_481 = arith.muli %arg1, %mul3A_480 : i32
      %mul3A_482 = arith.constant 128 : i32
      %mul3A_483 = arith.muli %scan3A_479, %mul3A_482 : i32
      %add3A_484 = arith.addi %mul3A_481, %mul3A_483 : i32
      %run_scoped3A = arith.constant 0 : i32
      "tpu.region"() ({
        %run_scoped3A_491 = tpu.sem_alloc : memref<!tpu.dma_semaphore, #tpu.memory_space<semaphore_mem>>
        %dma_start3A_492 = arith.constant 0 : i32
        %dma_start3A_493 = arith.constant 0 : i32
        %dma_start3A_494 = tpu.memref_slice %arg7[%run_scoped3A, %dma_start3A_492, %dma_start3A_493] : memref<2x128x16xf32, #tpu.memory_space<vmem>> -> memref<1x128x16xf32, #tpu.memory_space<vmem>>
        %dma_start3A_495 = tpu.memref_squeeze %dma_start3A_494 : memref<1x128x16xf32, #tpu.memory_space<vmem>> -> memref<128x16xf32, #tpu.memory_space<vmem>>
        %dma_start3A_496 = arith.constant 0 : i32
        %dma_start3A_497 = tpu.memref_slice %arg9[%add3A_484, %dma_start3A_496] : memref<10240x16xf32, #tpu.memory_space<vmem_shared>> -> memref<128x16xf32, #tpu.memory_space<vmem_shared>>
        %dma_start3A_498 = arith.constant 0 : i32
        %dma_start3A_499 = arith.constant 0 : i32
        %dma_start3A_500 = tpu.memref_slice %arg7[%run_scoped3A, %dma_start3A_498, %dma_start3A_499] : memref<2x128x16xf32, #tpu.memory_space<vmem>> -> memref<1x128x16xf32, #tpu.memory_space<vmem>>
        %dma_start3A_501 = tpu.memref_squeeze %dma_start3A_500 : memref<1x128x16xf32, #tpu.memory_space<vmem>> -> memref<128x16xf32, #tpu.memory_space<vmem>>
        %dma_start3A_502 = arith.constant 0 : i32
        %dma_start3A_503 = tpu.memref_slice %arg9[%add3A_484, %dma_start3A_502] : memref<10240x16xf32, #tpu.memory_space<vmem_shared>> -> memref<128x16xf32, #tpu.memory_space<vmem_shared>>
        tpu.enqueue_dma source(%dma_start3A_503 : memref<128x16xf32, #tpu.memory_space<vmem_shared>>) target(%dma_start3A_501 : memref<128x16xf32, #tpu.memory_space<vmem>>) target_semaphore(%run_scoped3A_491 : memref<!tpu.dma_semaphore, #tpu.memory_space<semaphore_mem>>)
        %dma_wait3A_504 = arith.constant 0 : i32
        %dma_wait3A_505 = arith.constant 0 : i32
        %dma_wait3A_506 = tpu.memref_slice %arg7[%run_scoped3A, %dma_wait3A_504, %dma_wait3A_505] : memref<2x128x16xf32, #tpu.memory_space<vmem>> -> memref<1x128x16xf32, #tpu.memory_space<vmem>>
        %dma_wait3A_507 = tpu.memref_squeeze %dma_wait3A_506 : memref<1x128x16xf32, #tpu.memory_space<vmem>> -> memref<128x16xf32, #tpu.memory_space<vmem>>
        %dma_wait3A_508 = arith.constant 0 : i32
        %dma_wait3A_509 = tpu.memref_slice %arg9[%add3A_484, %dma_wait3A_508] : memref<10240x16xf32, #tpu.memory_space<vmem_shared>> -> memref<128x16xf32, #tpu.memory_space<vmem_shared>>
        %dma_wait3A_510 = arith.constant 0 : i32
        %dma_wait3A_511 = arith.constant 0 : i32
        %dma_wait3A_512 = tpu.memref_slice %arg7[%run_scoped3A, %dma_wait3A_510, %dma_wait3A_511] : memref<2x128x16xf32, #tpu.memory_space<vmem>> -> memref<1x128x16xf32, #tpu.memory_space<vmem>>
        %dma_wait3A_513 = tpu.memref_squeeze %dma_wait3A_512 : memref<1x128x16xf32, #tpu.memory_space<vmem>> -> memref<128x16xf32, #tpu.memory_space<vmem>>
        %dma_wait3A_514 = arith.constant 0 : i32
        %dma_wait3A_515 = tpu.memref_slice %arg9[%add3A_484, %dma_wait3A_514] : memref<10240x16xf32, #tpu.memory_space<vmem_shared>> -> memref<128x16xf32, #tpu.memory_space<vmem_shared>>
        tpu.wait_dma2 semaphore(%run_scoped3A_491 : memref<!tpu.dma_semaphore, #tpu.memory_space<semaphore_mem>>) src(%dma_wait3A_515 : memref<128x16xf32, #tpu.memory_space<vmem_shared>>) dst(%dma_wait3A_513 : memref<128x16xf32, #tpu.memory_space<vmem>>)
        tpu.yield
      }) : () -> ()
      %mul3A_485 = arith.constant 640 : i32
      %mul3A_486 = arith.muli %arg1, %mul3A_485 : i32
      %mul3A_487 = arith.constant 128 : i32
      %mul3A_488 = arith.muli %scan3A_479, %mul3A_487 : i32
      %add3A_489 = arith.addi %mul3A_486, %mul3A_488 : i32
      %run_scoped3A_490 = arith.constant 0 : i32
      "tpu.region"() ({
        %run_scoped3A_491 = tpu.sem_alloc : memref<!tpu.dma_semaphore, #tpu.memory_space<semaphore_mem>>
        %dma_start3A_492 = arith.constant 0 : i32
        %dma_start3A_493 = arith.constant 0 : i32
        %dma_start3A_494 = tpu.memref_slice %arg7[%run_scoped3A_490, %dma_start3A_492, %dma_start3A_493] : memref<2x128x16xf32, #tpu.memory_space<vmem>> -> memref<1x128x16xf32, #tpu.memory_space<vmem>>
        %dma_start3A_495 = tpu.memref_squeeze %dma_start3A_494 : memref<1x128x16xf32, #tpu.memory_space<vmem>> -> memref<128x16xf32, #tpu.memory_space<vmem>>
        %dma_start3A_496 = arith.constant 0 : i32
        %dma_start3A_497 = tpu.memref_slice %arg4[%arg0, %add3A_489, %dma_start3A_496] : memref<2x10240x16xf32, #tpu.memory_space<hbm>> -> memref<1x128x16xf32, #tpu.memory_space<hbm>>
        %dma_start3A_498 = tpu.memref_squeeze %dma_start3A_497 : memref<1x128x16xf32, #tpu.memory_space<hbm>> -> memref<128x16xf32, #tpu.memory_space<hbm>>
        %dma_start3A_499 = arith.constant 0 : i32
        %dma_start3A_500 = tpu.memref_slice %arg4[%arg0, %add3A_489, %dma_start3A_499] : memref<2x10240x16xf32, #tpu.memory_space<hbm>> -> memref<1x128x16xf32, #tpu.memory_space<hbm>>
        %dma_start3A_501 = tpu.memref_squeeze %dma_start3A_500 : memref<1x128x16xf32, #tpu.memory_space<hbm>> -> memref<128x16xf32, #tpu.memory_space<hbm>>
        %dma_start3A_502 = arith.constant 0 : i32
        %dma_start3A_503 = arith.constant 0 : i32
        %dma_start3A_504 = tpu.memref_slice %arg7[%run_scoped3A_490, %dma_start3A_502, %dma_start3A_503] : memref<2x128x16xf32, #tpu.memory_space<vmem>> -> memref<1x128x16xf32, #tpu.memory_space<vmem>>
        %dma_start3A_505 = tpu.memref_squeeze %dma_start3A_504 : memref<1x128x16xf32, #tpu.memory_space<vmem>> -> memref<128x16xf32, #tpu.memory_space<vmem>>
        tpu.enqueue_dma source(%dma_start3A_505 : memref<128x16xf32, #tpu.memory_space<vmem>>) target(%dma_start3A_501 : memref<128x16xf32, #tpu.memory_space<hbm>>) target_semaphore(%run_scoped3A_491 : memref<!tpu.dma_semaphore, #tpu.memory_space<semaphore_mem>>)
        %dma_wait3A_506 = arith.constant 0 : i32
        %dma_wait3A_507 = arith.constant 0 : i32
        %dma_wait3A_508 = tpu.memref_slice %arg7[%run_scoped3A_490, %dma_wait3A_506, %dma_wait3A_507] : memref<2x128x16xf32, #tpu.memory_space<vmem>> -> memref<1x128x16xf32, #tpu.memory_space<vmem>>
        %dma_wait3A_509 = tpu.memref_squeeze %dma_wait3A_508 : memref<1x128x16xf32, #tpu.memory_space<vmem>> -> memref<128x16xf32, #tpu.memory_space<vmem>>
        %dma_wait3A_510 = arith.constant 0 : i32
        %dma_wait3A_511 = tpu.memref_slice %arg4[%arg0, %add3A_489, %dma_wait3A_510] : memref<2x10240x16xf32, #tpu.memory_space<hbm>> -> memref<1x128x16xf32, #tpu.memory_space<hbm>>
        %dma_wait3A_512 = tpu.memref_squeeze %dma_wait3A_511 : memref<1x128x16xf32, #tpu.memory_space<hbm>> -> memref<128x16xf32, #tpu.memory_space<hbm>>
        %dma_wait3A_513 = arith.constant 0 : i32
        %dma_wait3A_514 = tpu.memref_slice %arg4[%arg0, %add3A_489, %dma_wait3A_513] : memref<2x10240x16xf32, #tpu.memory_space<hbm>> -> memref<1x128x16xf32, #tpu.memory_space<hbm>>
        %dma_wait3A_515 = tpu.memref_squeeze %dma_wait3A_514 : memref<1x128x16xf32, #tpu.memory_space<hbm>> -> memref<128x16xf32, #tpu.memory_space<hbm>>
        %dma_wait3A_516 = arith.constant 0 : i32
        %dma_wait3A_517 = arith.constant 0 : i32
        %dma_wait3A_518 = tpu.memref_slice %arg7[%run_scoped3A_490, %dma_wait3A_516, %dma_wait3A_517] : memref<2x128x16xf32, #tpu.memory_space<vmem>> -> memref<1x128x16xf32, #tpu.memory_space<vmem>>
        %dma_wait3A_519 = tpu.memref_squeeze %dma_wait3A_518 : memref<1x128x16xf32, #tpu.memory_space<vmem>> -> memref<128x16xf32, #tpu.memory_space<vmem>>
        tpu.wait_dma2 semaphore(%run_scoped3A_491 : memref<!tpu.dma_semaphore, #tpu.memory_space<semaphore_mem>>) src(%dma_wait3A_519 : memref<128x16xf32, #tpu.memory_space<vmem>>) dst(%dma_wait3A_515 : memref<128x16xf32, #tpu.memory_space<hbm>>)
        tpu.yield
      }) : () -> ()
    }
    %scan3A_478 = arith.constant 5 : i32
    return
  }
}

module attributes {stable_mosaic.version = 14 : i64} {
  func.func @_proj_body(%arg0: i32, %arg1: memref<2000x128xf32, #tpu.memory_space<vmem>>, %arg2: memref<10x128xf32, #tpu.memory_space<vmem>>, %arg3: memref<5xf32, #tpu.memory_space<vmem>>, %arg4: memref<2000x16xf32, #tpu.memory_space<vmem>>, %arg5: memref<2000x16xf32, #tpu.memory_space<vmem>>) attributes {dimension_semantics = [#tpu.dimension_semantics<arbitrary>], iteration_bounds = array<i64: 5>, scalar_prefetch = 0 : i64, scratch_operands = 0 : i64, tpu.core_type = #tpu.core_type<tc>, window_params = [{transform_indices = @transform_0, window_bounds = array<i64: 2000, 128>}, {pipeline_mode = #tpu.pipeline_mode<synchronous>, transform_indices = @transform_1, window_bounds = array<i64: 10, 128>}, {pipeline_mode = #tpu.pipeline_mode<synchronous>, transform_indices = @transform_2, window_bounds = array<i64: 5>}, {transform_indices = @transform_3, window_bounds = array<i64: 2000, 16>}, {transform_indices = @transform_4, window_bounds = array<i64: 2000, 16>}]} {
    %get3A = arith.constant 0 : index
    %get3A_0 = arith.constant 0 : index
    %get3A_1 = vector.load %arg1[%get3A, %get3A_0] : memref<2000x128xf32, #tpu.memory_space<vmem>>, vector<2000x128xf32>
    %get3A_2 = arith.constant 0 : index
    %get3A_3 = arith.constant 0 : index
    %get3A_4 = vector.load %arg2[%get3A_2, %get3A_3] : memref<10x128xf32, #tpu.memory_space<vmem>>, vector<10x128xf32>
    %dot_general3A = arith.constant dense<0.000000e+00> : vector<2000x10xf32>
    %dot_general3A_5 = tpu.matmul %get3A_1, %get3A_4, %dot_general3A {dimension_numbers = #tpu.dot_dimension_numbers<[1], [1], [0], [0], [0, 0, 1, 0], [], []>, transpose_lhs_hint = false} : vector<2000x128xf32>, vector<10x128xf32>, vector<2000x10xf32> -> vector<2000x10xf32>
    %broadcast_in_dim3A = arith.constant 1.000000e+00 : f32
    %broadcast_in_dim3A_6 = vector.broadcast %broadcast_in_dim3A : f32 to vector<2000x1xf32>
    %broadcast_in_dim3A_7 = arith.constant 0.000000e+00 : f32
    %broadcast_in_dim3A_8 = vector.broadcast %broadcast_in_dim3A_7 : f32 to vector<2000x10xf32>
    %broadcast_in_dim3A_9 = arith.constant 0.000000e+00 : f32
    %broadcast_in_dim3A_10 = vector.broadcast %broadcast_in_dim3A_9 : f32 to vector<2000x11xf32>
    %slice3A = vector.extract_strided_slice %dot_general3A_5 {offsets = [0, 0], sizes = [2000, 5], strides = [1, 1]} : vector<2000x10xf32> to vector<2000x5xf32>
    %concatenate3A = tpu.concatenate %slice3A, %broadcast_in_dim3A_6, %broadcast_in_dim3A_8 in 1 : vector<2000x5xf32>, vector<2000x1xf32>, vector<2000x10xf32> -> vector<2000x16xf32>
    %swap3A = arith.constant 0 : index
    %swap3A_11 = arith.constant 0 : index
    %swap3A_12 = vector.load %arg4[%swap3A, %swap3A_11] : memref<2000x16xf32, #tpu.memory_space<vmem>>, vector<2000x16xf32>
    tpu.vector_store %arg4[%swap3A, %swap3A_11], %concatenate3A {strides = array<i32>} : memref<2000x16xf32, #tpu.memory_space<vmem>>, vector<2000x16xf32>,
    %slice3A_13 = vector.extract_strided_slice %dot_general3A_5 {offsets = [0, 5], sizes = [2000, 5], strides = [1, 1]} : vector<2000x10xf32> to vector<2000x5xf32>
    %get3A_14 = arith.constant 0 : index
    %get3A_15 = vector.load %arg3[%get3A_14] : memref<5xf32, #tpu.memory_space<vmem>>, vector<5xf32>
    %broadcast_in_dim3A_16 = vector.shape_cast %get3A_15 : vector<5xf32> to vector<1x5xf32>
    %add3A = vector.broadcast %broadcast_in_dim3A_16 : vector<1x5xf32> to vector<2000x5xf32>
    %add3A_17 = arith.addf %slice3A_13, %add3A : vector<2000x5xf32>
    %concatenate3A_18 = tpu.concatenate %add3A_17, %broadcast_in_dim3A_10 in 1 : vector<2000x5xf32>, vector<2000x11xf32> -> vector<2000x16xf32>
    %swap3A_19 = arith.constant 0 : index
    %swap3A_20 = arith.constant 0 : index
    %swap3A_21 = vector.load %arg5[%swap3A_19, %swap3A_20] : memref<2000x16xf32, #tpu.memory_space<vmem>>, vector<2000x16xf32>
    tpu.vector_store %arg5[%swap3A_19, %swap3A_20], %concatenate3A_18 {strides = array<i32>} : memref<2000x16xf32, #tpu.memory_space<vmem>>, vector<2000x16xf32>,
    return
  }
  func.func @transform_0(%arg0: i32) -> (i32, i32) {
    %c0_i32 = arith.constant 0 : i32
    %c0_i32_0 = arith.constant 0 : i32
    return %arg0, %c0_i32 : i32, i32
  }
  func.func @transform_1(%arg0: i32) -> (i32, i32) {
    %c0_i32 = arith.constant 0 : i32
    %c0_i32_0 = arith.constant 0 : i32
    %c0_i32_1 = arith.constant 0 : i32
    return %c0_i32, %c0_i32_0 : i32, i32
  }
  func.func @transform_2(%arg0: i32) -> i32 {
    %c0_i32 = arith.constant 0 : i32
    %c0_i32_0 = arith.constant 0 : i32
    return %c0_i32 : i32
  }
  func.func @transform_3(%arg0: i32) -> (i32, i32) {
    %c0_i32 = arith.constant 0 : i32
    %c0_i32_0 = arith.constant 0 : i32
    return %arg0, %c0_i32 : i32, i32
  }
  func.func @transform_4(%arg0: i32) -> (i32, i32) {
    %c0_i32 = arith.constant 0 : i32
    %c0_i32_0 = arith.constant 0 : i32
    return %arg0, %c0_i32 : i32, i32
  }
}

module attributes {stable_mosaic.version = 14 : i64} {
  func.func @_final_body(%arg0: i32, %arg1: memref<2x2000x16xf32, #tpu.memory_space<vmem>>, %arg2: memref<2000x16xf32, #tpu.memory_space<vmem>>, %arg3: memref<2000x5xf32, #tpu.memory_space<vmem>>) attributes {dimension_semantics = [#tpu.dimension_semantics<arbitrary>], iteration_bounds = array<i64: 5>, scalar_prefetch = 0 : i64, scratch_operands = 0 : i64, tpu.core_type = #tpu.core_type<tc>, window_params = [{transform_indices = @transform_0, window_bounds = array<i64: 2, 2000, 16>}, {transform_indices = @transform_1, window_bounds = array<i64: 2000, 16>}, {transform_indices = @transform_2, window_bounds = array<i64: 2000, 5>}]} {
    %get3A = arith.constant 0 : index
    %get3A_0 = arith.constant 0 : index
    %get3A_1 = arith.constant 0 : index
    %get3A_2 = vector.load %arg1[%get3A, %get3A_0, %get3A_1] : memref<2x2000x16xf32, #tpu.memory_space<vmem>>, vector<1x2000x16xf32>
    %get3A_3 = vector.shape_cast %get3A_2 : vector<1x2000x16xf32> to vector<2000x16xf32>
    %get3A_4 = arith.constant 1 : index
    %get3A_5 = arith.constant 0 : index
    %get3A_6 = arith.constant 0 : index
    %get3A_7 = vector.load %arg1[%get3A_4, %get3A_5, %get3A_6] : memref<2x2000x16xf32, #tpu.memory_space<vmem>>, vector<1x2000x16xf32>
    %get3A_8 = vector.shape_cast %get3A_7 : vector<1x2000x16xf32> to vector<2000x16xf32>
    %add3A = arith.addf %get3A_3, %get3A_8 : vector<2000x16xf32>
    %slice3A = vector.extract_strided_slice %add3A {offsets = [0, 5], sizes = [2000, 1], strides = [1, 1]} : vector<2000x16xf32> to vector<2000x1xf32>
    %max3A = arith.constant 1.000000e+00 : f32
    %max3A_9 = vector.broadcast %max3A : f32 to vector<2000x1xf32>
    %max3A_10 = arith.maximumf %slice3A, %max3A_9 : vector<2000x1xf32>
    %div3A = vector.broadcast %max3A_10 : vector<2000x1xf32> to vector<2000x16xf32>
    %div3A_11 = arith.divf %add3A, %div3A : vector<2000x16xf32>
    %get3A_12 = arith.constant 0 : index
    %get3A_13 = arith.constant 0 : index
    %get3A_14 = vector.load %arg2[%get3A_12, %get3A_13] : memref<2000x16xf32, #tpu.memory_space<vmem>>, vector<2000x16xf32>
    %add3A_15 = arith.addf %div3A_11, %get3A_14 : vector<2000x16xf32>
    %slice3A_16 = vector.extract_strided_slice %add3A_15 {offsets = [0, 0], sizes = [2000, 5], strides = [1, 1]} : vector<2000x16xf32> to vector<2000x5xf32>
    %swap3A = arith.constant 0 : index
    %swap3A_17 = arith.constant 0 : index
    %swap3A_18 = vector.load %arg3[%swap3A, %swap3A_17] : memref<2000x5xf32, #tpu.memory_space<vmem>>, vector<2000x5xf32>
    tpu.vector_store %arg3[%swap3A, %swap3A_17], %slice3A_16 {strides = array<i32>} : memref<2000x5xf32, #tpu.memory_space<vmem>>, vector<2000x5xf32>,
    return
  }
  func.func @transform_0(%arg0: i32) -> (i32, i32, i32) {
    %c0_i32 = arith.constant 0 : i32
    %c0_i32_0 = arith.constant 0 : i32
    %c0_i32_1 = arith.constant 0 : i32
    return %c0_i32, %arg0, %c0_i32_0 : i32, i32, i32
  }
  func.func @transform_1(%arg0: i32) -> (i32, i32) {
    %c0_i32 = arith.constant 0 : i32
    %c0_i32_0 = arith.constant 0 : i32
    return %arg0, %c0_i32 : i32, i32
  }
  func.func @transform_2(%arg0: i32) -> (i32, i32) {
    %c0_i32 = arith.constant 0 : i32
    %c0_i32_0 = arith.constant 0 : i32
    return %arg0, %c0_i32 : i32, i32
  }
}

</mosaic_0001>

<sc_bundles>
// kernel: kernel.5.cloned.1.call-start
scs
__scs_entry_jumppad:
0x0: {  	(pc) =	sbr.rel $0x88, $3  }
0x1: {  	(tag) =	ssettag $0x0;
	lr =	simm.s32 $0x1  }
0x2: {  	[smem:$0x3F9C] =	sst lr;
	_ =	strace $0xD0000000  }
0x3: {  	_ = 	snop  }
0x4: {  	_ = 	snop  }
0x5: {  	_ = 	snop  }
0x6: {  	_ = 	snop  }
0x7: {  	_ = 	snop  }
__scs_overlays_trampoline_lowered:
0x8: {  	[smem:$0x3FAB] =	sst s0  }
0x9: {  	[smem:$0x3FAC] =	sst s1  }
0xa: {  	[smem:$0x3FAD] =	sst s2  }
0xb: {  	[smem:$0x3FAE] =	sst s3  }
0xc: {  	[smem:$0x3FAF] =	sst s4  }
0xd: {  	[smem:$0x3FB0] =	sst s5  }
0xe: {  	[smem:$0x3FB1] =	sst s6  }
0xf: {  	[smem:$0x3FB2] =	sst s7  }
0x10: {  	[smem:$0x3FB3] =	sst s8  }
0x11: {  	[smem:$0x3FB4] =	sst s9;
	s0 =	simm.s32 @!p0 $0x0  }
0x12: {  	s1 =	sld [smem:$0x3F9A];
	s0 =	simm.s32 @p0 $0x1  }
0x13: {  	[smem:$0x3FB5] =	sst s0;
	s0 =	simm.s32 @!p1 $0x0  }
0x14: {  	s2 =	sld [smem:$0x3F99];
	s0 =	simm.s32 @p1 $0x1  }
0x15: {  	[smem:$0x3FB6] =	sst s0;
	s0 =	simm.s32 @!p2 $0x0  }
0x16: {  	s3 =	sld [smem:$0x3FDB];
	s0 =	simm.s32 @p2 $0x1  }
0x17: {  	s4 =	simm.s32 $0x1BF5;
	[smem:$0x3FB8] =	sst s0  }
0x18: {  	s0 =	sld [smem:$0x3F9B];
	_ =	swait.ge [sflag:s4], $0x0  }
0x19: {  	s7 =	sld [smem:$0x3F9C]  }
0x1a: {  	s8 =	sadd.s32 $0xFFFFE003, lr  }
0x1b: {  	s9 =	sadd.s32 $0xFFFFFEF7, lr;
	s5 =	simm.s32 $0xFFFFFFFF;
	p2 =	slt.u32 s8, $0xFFFFF086  }
0x1c: {  	p1 =	slt.u32 s9, $0xF7A;
	s5 =	simm.s32 @!p2 $0x0  }
0x1d: {  	s5 =	simm.s32 @p1 $0x1;
	p0 =	seq.s32 s7, s2  }
0x1e: {  	s7 =	smul.u32 @!p0 $0xF7A, s2;
	p2 =	seq.s32 @!p0 s5, $0x0  }
0x1f: {  	s9 =	smul.u32 $0xF7A, s1;
	s8 =	simm.s32 @!p0 $0x1BF5;
	p2 =	por !p2, p0  }
0x20: {  	[sflag:s8] =	ssyncset.s32 @!p0 $0xFFFFF086;
	s6 =	sadd.s32 @!p0 s3, s7;
	s7 =	simm.s32 @!p0 $0x108  }
0x21: {  	s3 =	sadd.s32 s3, s9;
	s6 =	sadd.s32 @!p0 $0x88, s6;
	s7 =	simm.s32 @p2 $0x1082  }
0x22: {  	[simem:s7], [sflag:s8] =	dma.local @!p0 [hbm:s6], $0xF7A  }
0x23: {  	s9 =	sor.u32 $0xD0000000, s2;
	s6 =	simm.s32 $0x108;
	_ =	swait.ge @!p0 [sflag:s8], $0x0  }
0x24: {  	s3 =	sadd.s32 $0x88, s3;
	s6 =	simm.s32 @!p1 $0x1082;
	[sflag:s4] =	ssyncset.s32 $0xFFFFF086  }
0x25: {  	[simem:s6], [sflag:s4] =	dma.local [hbm:s3], $0xF7A  }
0x26: {  	[smem:$0x3F9C] =	sst s1;
	(tag) =	ssettag s2;
	_ =	strace s9  }
0x27: {  	s1 =	sld [smem:$0x3FAC]  }
0x28: {  	s2 =	sld [smem:$0x3FAD]  }
0x29: {  	s4 =	sld [smem:$0x3FAF]  }
0x2a: {  	p0 =	seq.s32 s5, $0x0;
	s5 =	sld [smem:$0x3FB0]  }
0x2b: {  	s6 =	sld [smem:$0x3FB1]  }
0x2c: {  	s7 =	sld [smem:$0x3FB2]  }
0x2d: {  	s3 =	simm.s32 $0x108;
	s8 =	sld [smem:$0x3FB3]  }
0x2e: {  	s3 =	simm.s32 @!p0 $0x1082;
	s9 =	sld [smem:$0x3FB4]  }
0x2f: {  	lr =	sadd.s32 s0, s3;
	s0 =	sld [smem:$0x3FAB]  }
0x30: {  	s3 =	sld [smem:$0x3FAE]  }
0x31: {  	[smem:$0x3FB7] =	sst s10  }
0x32: {  	s10 =	sld [smem:$0x3FB5];
	_ =	sdelay $0x3  }
0x33: {  	p0 =	seq.s32 s10, $0x1;
	s10 =	sld [smem:$0x3FB7];
	_ =	sdelay $0x3  }
0x34: {  	[smem:$0x3FB7] =	sst s10  }
0x35: {  	s10 =	sld [smem:$0x3FB6];
	_ =	sdelay $0x3  }
0x36: {  	p1 =	seq.s32 s10, $0x1;
	s10 =	sld [smem:$0x3FB7];
	_ =	sdelay $0x3  }
0x37: {  	[smem:$0x3FB7] =	sst s10  }
0x38: {  	s10 =	sld [smem:$0x3FB8]  }
0x39: {  	_ = 	snop;
	(pc) =	sbr.ind lr, $3  }
0x3a: {  	_ = 	snop  }
0x3b: {  	_ = 	snop  }
0x3c: {  	p2 =	seq.s32 s10, $0x1;
	s10 =	sld [smem:$0x3FB7]  }
0x3d: {  	_ =	shalt  }
0x3e: {  	_ =	shalt  }
0x3f: {  	_ =	shalt  }
0x40: {  	_ =	shalt  }
0x41: {  	_ =	shalt  }
0x42: {  	_ =	shalt  }
0x43: {  	_ =	shalt  }
0x44: {  	_ =	shalt  }
0x45: {  	_ =	shalt  }
0x46: {  	_ =	shalt  }
0x47: {  	_ =	shalt  }
0x48: {  	_ =	shalt  }
0x49: {  	_ =	shalt  }
0x4a: {  	_ =	shalt  }
0x4b: {  	_ =	shalt  }
0x4c: {  	_ =	shalt  }
0x4d: {  	_ =	shalt  }
0x4e: {  	_ =	shalt  }
0x4f: {  	_ =	shalt  }
0x50: {  	_ =	shalt  }
0x51: {  	_ =	shalt  }
0x52: {  	_ =	shalt  }
0x53: {  	_ =	shalt  }
0x54: {  	_ =	shalt  }
0x55: {  	_ =	shalt  }
0x56: {  	_ =	shalt  }
0x57: {  	_ =	shalt  }
0x58: {  	_ =	shalt  }
0x59: {  	_ =	shalt  }
0x5a: {  	_ =	shalt  }
0x5b: {  	_ =	shalt  }
0x5c: {  	_ =	shalt  }
0x5d: {  	_ =	shalt  }
0x5e: {  	_ =	shalt  }
0x5f: {  	_ =	shalt  }
0x60: {  	_ =	shalt  }
0x61: {  	_ =	shalt  }
0x62: {  	_ =	shalt  }
0x63: {  	_ =	shalt  }
0x64: {  	_ =	shalt  }
0x65: {  	_ =	shalt  }
0x66: {  	_ =	shalt  }
0x67: {  	_ =	shalt  }
0x68: {  	_ =	shalt  }
0x69: {  	_ =	shalt  }
0x6a: {  	_ =	shalt  }
0x6b: {  	_ =	shalt  }
0x6c: {  	_ =	shalt  }
0x6d: {  	_ =	shalt  }
0x6e: {  	_ =	shalt  }
0x6f: {  	_ =	shalt  }
0x70: {  	_ =	shalt  }
0x71: {  	_ =	shalt  }
0x72: {  	_ =	shalt  }
0x73: {  	_ =	shalt  }
0x74: {  	_ =	shalt  }
0x75: {  	_ =	shalt  }
0x76: {  	_ =	shalt  }
0x77: {  	_ =	shalt  }
0x78: {  	_ =	shalt  }
0x79: {  	_ =	shalt  }
0x7a: {  	_ =	shalt  }
0x7b: {  	_ =	shalt  }
0x7c: {  	_ =	shalt  }
0x7d: {  	_ =	shalt  }
0x7e: {  	_ =	shalt  }
0x7f: {  	_ =	shalt  }
0x80: {  	_ =	shalt  }
0x81: {  	_ =	shalt  }
0x82: {  	_ =	shalt  }
0x83: {  	_ =	shalt  }
0x84: {  	_ =	shalt  }
0x85: {  	_ =	shalt  }
0x86: {  	_ =	shalt  }
0x87: {  	_ =	shalt  }
.Lfunc_end0:
.L_simem_size_0:
called_computation_lowered:
.L_overlay_start_0:
0x88: {  	s2 =	sld [smem:$0x3FD9]  }
0x89: {  	s3 =	sld [smem:$0x3FFE];
	_ =	sdelay $0x1  }
0x8a: {  	s1 =	srdreg.scid  }
0x8b: {  	s0 =	sand.u32 $0x1, s1  }
0x8c: {  	s16 =	sshll.u32 s0, $0xA;
	s2 =	sadd.s32 s3, s2  }
0x8d: {  	s2 =	sadd.s32 s2, s16  }
0x8e: {  	[smem:$0x3FC3] =	sst s2  }
0x8f: {  	_ = 	snop  }
0x90: {  	(tm) =	ssettm $0x1  }
0x91: {  	s17 =	sld [smem:$0x3FFB];
	_ =	sdelay $0x3  }
0x92: {  	_ =	strace s17  }
0x93: {  	s2 =	sld [smem:$0x3FFC];
	_ =	sdelay $0x3  }
0x94: {  	_ =	strace s2  }
0x95: {  	s2 =	sld [smem:$0x3FFD];
	_ =	sdelay $0x3  }
0x96: {  	_ =	strace s2  }
0x97: {  	_ =	strace $0x8FFFFFFF  }
0x98: {  	s18 =	sld [smem:$0x3FDB];
	_ =	sdelay $0x1  }
0x99: {  	s19 =	simm.s32 $_scs_section_size  }
0x9a: {  	s4 =	simm.s32 $_size__tile_overlayer_lowered;
	s5 =	simm.s32 $_tile_overlayer_lowered  }
0x9b: {  	s22 =	simm.s32 $0x1BFF;
	s21 =	sshll.u32 s5, $0x1;
	s2 =	sadd.s32 s19, s18  }
0x9c: {  	s6 =	simm.s32 $0x0;
	s20 =	sshll.u32 s4, $0x1;
	s4 =	sadd.s32 s21, s2  }
0x9d: {  	[timem:s6], [sflag:s22] =	dma.local [hbm:s4], s20  }
0x9e: {  	_ =	swait.ge [sflag:s22], s20  }
0x9f: {  	s3 =	ssub.s32 $0x0, s20;
	[sflag:s22] =	ssyncset.done $0x0  }
0xa0: {  	[sflag:s22] =	ssyncadd.s32 s3;
	_ =	sdelay $0x1  }
0xa1: {  	s23 =	simm.s32 $0x1B8B  }
0xa2: {  	_ =	swait.ge [sflag:s23], $0x1  }
0xa3: {  	[sflag:s23] =	ssyncset.done $0x0  }
0xa4: {  	s25 =	simm.s32 $0x1B8E;
	s24 =	sld [smem:$0x3FFE];
	[sflag:s23] =	ssyncadd.s32 $0xFFFFFFFF  }
0xa5: {  	s26 =	simm.s32 $execute0_lowered;
	[smem:$0x3FD2] =	sst s25  }
0xa6: {  	s4 =	sshll.u32 s26, $0x1;
	_ =	strace $0x80000046;
	[dreg:$0x1] =	wrdreg $0xFFFFFFFF  }
0xa7: {  	s28 =	simm.s32 $_size_execute0_lowered;
	s2 =	sadd.s32 s2, s4;
	[dreg:$0x0] =	wrdreg $0x0  }
0xa8: {  	s4 =	sshll.u32 s28, $0x1;
	[dreg:$0x2] =	wrdreg s2  }
0xa9: {  	[dreg:$0x3] =	wrdreg s4  }
0xaa: {  	[dreg:$0x4] =	wrdreg $0xC0  }
0xab: {  	_ =	task [dreg:s6], $0x5FFFF  }
0xac: {  	[dreg:$0x1] =	wrdreg $0xFFFFFFFF  }
0xad: {  	[dreg:$0x0] =	wrdreg $0x60  }
0xae: {  	[dreg:$0x2] =	wrdreg s24  }
0xaf: {  	[dreg:$0x3] =	wrdreg $0x5F000  }
0xb0: {  	[dreg:$0x4] =	wrdreg $0x87000  }
0xb1: {  	[dreg:$0x5] =	wrdreg $0x9  }
0xb2: {  	_ =	task.clear_ibuf [dreg:s6], $0x6FFFF;
	_ =	strace $0x90000046  }
0xb3: {  	s29 =	simm.s32 $0x9;
	_ =	strace $0x80000048  }
0xb4: {  	_ =	swait.ge [sflag:s29], $0x1  }
0xb5: {  	[sflag:s29] =	ssyncadd.s32 $0xFFFFFFFF  }
0xb6: {  	_ =	strace $0x90000048  }
0xb7: {  	_ =	sfence  }
0xb8: {  	s30 =	sld [smem:$0x0];
	_ =	sdelay $0x2  }
0xb9: {  	s31 =	sshll.u32 s1, $0xD;
	s1 =	sshrl.u32 s1, $0x2  }
0xba: {  	s3 =	sand.u32 $0x4000, s31;
	s1 =	sadd.s32 s1, s30  }
0xbb: {  	s0 =	sor.u32 s3, s0;
	s1 =	sshll.u32 s1, $0x11  }
0xbc: {  	s0 =	sor.u32 s1, s0  }
0xbd: {  	s0 =	sadd.s32 $0x8F2B, s0  }
0xbe: {  	[sflag:s0] =	ssyncadd.remote.s32 $0x1  }
0xbf: {  	_ =	sfence.sel $0xFFFF  }
0xc0: {  	[dreg:$0x0] =	wrdreg $0xFFFFFFFF;
	(pc) =	sbr.abs _section_cstart, $3  }
0xc1: {  	[dreg:$0x1] =	wrdreg $0xFFFFFFFF  }
0xc2: {  	_ =	task.clear_ibuf [dreg:s6], $0x2FFFF;
	_ =	strace $0x9FFFFFFF  }
0xc3: {  	(tm) =	ssettm $0x7FFFFFFF  }
tec
execute0_lowered:
.L_overlay_start_1:
0x0: {  	(tag) =	ssettag $0x1  }
0x1: {  	s0 =	rddreg [dreg:$0x0]  }
0x2: {  	s1 =	rddreg [dreg:$0x1]  }
0x3: {  	s2 =	rddreg [dreg:$0x2]  }
0x4: {  	s3 =	srdreg.scid;
	s4 =	simm.s32 $0x0;
	s17 =	stileid.u32  }
0x5: {  	s3 =	sand.u32 $0x1, s3;
	[smem:$0x7FF] =	sst s4;
	s7 =	sadd.s32 $0x14800, s0  }
0x6: {  	s9 =	smul.u32 $0x2800, s17;
	s10 =	sadd.s32 $0xE00, s0;
	s0 =	sadd.s32 $0x19800, s0  }
0x7: {  	s20 =	sshll.u32 s17, $0x4;
	s5 =	sshll.u32 s3, $0x4;
	_ =	strace $0x80000047  }
0x8: {  	s8 =	ssub.s32 $0x2, s3;
	s3 =	smul.u32 $0x28000, s3;
	s5 =	sor.u32 s17, s5  }
0x9: {  	s11 =	sshrl.u32 s8, $0x1;
	s24 =	sshrl.u32 s9, $0x3;
	s13 =	sadd.s32 $0x1800, s9  }
0xa: {  	s14 =	sadd.s32 $0x2000, s9;
	s6 =	smul.u32 $0x2700, s5;
	s8 =	ssub.s32 s8, s11  }
0xb: {  	s11 =	sadd.s32 $0x800, s9;
	s15 =	sshrl.u32 s13, $0x3;
	s16 =	sshrl.u32 s14, $0x3  }
0xc: {  	s21 =	sadd.s32 s3, s9;
	p0 =	slt.u32 s5, $0x4;
	p1 =	sgt.u32 s5, $0x3  }
0xd: {  	s28 =	sadd.s32 s13, s2;
	s29 =	sadd.s32 s14, s1;
	s30 =	sadd.s32 s14, s2  }
0xe: {  	s5 =	simm.s32 $0x4F00;
	s12 =	sshrl.u32 s11, $0x3;
	s19 =	sadd.s32 s7, s15  }
0xf: {  	s22 =	sadd.s32 s3, s11;
	s23 =	sshrl.u32 s21, $0x3;
	s15 =	simm.s32 $0x7  }
0x10: {  	s6 =	sshrl.u32 s6, $0x3;
	s25 =	sadd.s32 s7, s12;
	[dreg:$0x7] =	wrdreg s19  }
0x11: {  	s19 =	sadd.s32 s9, s1;
	s18 =	sadd.s32 s10, s6;
	[dreg:$0x5] =	wrdreg s25  }
0x12: {  	s6 =	sadd.s32 s7, s24;
	s25 =	smul.u32 $0xA000, s17;
	[dreg:$0xe] =	wrdreg s19  }
0x13: {  	s24 =	sshrl.u32 s22, $0x3;
	[dreg:$0x4] =	wrdreg s6;
	s6 =	sadd.s32 $0x1000, s9  }
0x14: {  	s31 =	sadd.s32 $0x9C40, s18;
	s26 =	sshrl.u32 s6, $0x3;
	s22 =	sshrl.u32 s25, $0x2  }
0x15: {  	s25 =	sadd.s32 s11, s1;
	s12 =	sadd.s32 s7, s26;
	s7 =	sadd.s32 s7, s16  }
0x16: {  	s26 =	sadd.s32 s0, s24;
	s16 =	sadd.s32 s3, s13;
	s19 =	sadd.s32 s22, s2  }
0x17: {  	s24 =	smax.u32 s8, $0x1;
	[dreg:$0x13] =	wrdreg s25;
	s25 =	sadd.s32 s6, s2  }
0x18: {  	s22 =	smov.u32 s18;
	s8 =	simm.s32 $0x5700;
	[dreg:$0x6] =	wrdreg s12  }
0x19: {  	[dreg:$0x8] =	wrdreg s7;
	s7 =	sadd.s32 s20, s10;
	s10 =	sadd.s32 s0, s23  }
0x1a: {  	[dreg:$0xa] =	wrdreg s26;
	s12 =	sadd.s32 s3, s6;
	s3 =	sadd.s32 s3, s14  }
0x1b: {  	s23 =	sadd.s32 s9, s2;
	[dreg:$0x12] =	wrdreg s24;
	s26 =	sadd.s32 s11, s2  }
0x1c: {  	s24 =	sadd.s32 s6, s1;
	s6 =	sadd.s32 $0x1800, s19;
	s9 =	simm.s32 $0x3  }
0x1d: {  	s11 =	simm.s32 $0x4;
	s14 =	simm.s32 $0x6;
	[dreg:$0x9] =	wrdreg s10  }
0x1e: {  	s10 =	sshrl.u32 s12, $0x3;
	s12 =	sshrl.u32 s16, $0x3;
	[dreg:$0x11] =	wrdreg s23  }
0x1f: {  	s3 =	sshrl.u32 s3, $0x3;
	s20 =	sadd.s32 $0x9C00, s7;
	[dreg:$0x14] =	wrdreg s26  }
0x20: {  	s21 =	sadd.s32 $0x13840, s7;
	s26 =	sadd.s32 s13, s1;
	[dreg:$0xf] =	wrdreg s20  }
0x21: {  	s7 =	sadd.s32 $0x2000, s19;
	s10 =	sadd.s32 s0, s10;
	[dreg:$0x10] =	wrdreg s21  }
0x22: {  	s13 =	simm.s32 $0x5;
	s17 =	sadd.s32 s0, s12;
	[dreg:$0xb] =	wrdreg s10  }
0x23: {  	s16 =	simm.s32 $0x80;
	s0 =	sadd.s32 s0, s3;
	[dreg:$0xc] =	wrdreg s17  }
0x24: {  	s3 =	sadd.s32 $0x1000, s19;
	s12 =	simm.s32 $0x2;
	[dreg:$0xd] =	wrdreg s0  }
0x25: {  	v0 =	vimm.f32 $0.0e+00;
	s0 =	sadd.s32 $0x800, s19;
	s10 =	simm.s32 $0x1;
	s17 =	simm.s32 $0x0  }
.LBB2_1:
0x26: {  	[tilespmem:s4], [sflag:$0x5] =	stream.linear.gather [hbm4b:s22+s4], $0x2700, $0x38;
	[tilespmem:$0xAF00] =	vst v63  }
0x27: {  	s18 =	simm.s32 $0x2780  }
0x28: {  	[tilespmem:s18], [sflag:$0x6] =	stream.linear.gather [hbm4b:s31+s4], $0x2700, $0x38;
	[tilespmem:$0xAF00] =	vst v63  }
0x29: {  	s23 =	rddreg [dreg:$0x4]  }
0x2a: {  	[tilespmem:s5], [sflag:$0x3] =	stream.linear.gather [hbm4b:s23+s4], $0x800, $0x38;
	[tilespmem:$0xAF00] =	vst v63  }
0x2b: {  	s20 =	rddreg [dreg:$0x5]  }
0x2c: {  	[tilespmem:s8], [sflag:$0x4] =	stream.linear.gather [hbm4b:s20+s4], $0x800, $0x38;
	[tilespmem:$0xAF00] =	vst v63  }
0x2d: {  	_ =	swait.ge [sflag:s9], $0x800  }
0x2e: {  	[sflag:s9] =	ssyncset.done $0x0  }
0x2f: {  	s21 =	rddreg [dreg:$0xe];
	[sflag:s9] =	ssyncadd.s32 $0xFFFFF800  }
0x30: {  	[spmem:s21] =	stream.linear.scatter [tilespmem:s5], [sflag:$0x1], $0x800, $0x38;
	[tilespmem:$0xAF00] =	vst v63  }
0x31: {  	_ =	swait.ge [sflag:s10], $0x800  }
0x32: {  	[sflag:s10] =	ssyncset.done $0x0  }
0x33: {  	s23 =	rddreg [dreg:$0x6];
	[sflag:s10] =	ssyncadd.s32 $0xFFFFF800  }
0x34: {  	[tilespmem:s5], [sflag:$0x3] =	stream.linear.gather [hbm4b:s23+s4], $0x800, $0x38;
	[tilespmem:$0xAF00] =	vst v63  }
0x35: {  	_ =	swait.ge [sflag:s11], $0x800  }
0x36: {  	[sflag:s11] =	ssyncset.done $0x0  }
0x37: {  	s20 =	rddreg [dreg:$0x13];
	[sflag:s11] =	ssyncadd.s32 $0xFFFFF800  }
0x38: {  	[spmem:s20] =	stream.linear.scatter [tilespmem:s8], [sflag:$0x2], $0x800, $0x38;
	[tilespmem:$0xAF00] =	vst v63  }
0x39: {  	_ =	swait.ge [sflag:s12], $0x800  }
0x3a: {  	[sflag:s12] =	ssyncset.done $0x0  }
0x3b: {  	s21 =	rddreg [dreg:$0x7];
	[sflag:s12] =	ssyncadd.s32 $0xFFFFF800  }
0x3c: {  	[tilespmem:s8], [sflag:$0x4] =	stream.linear.gather [hbm4b:s21+s4], $0x800, $0x38;
	[tilespmem:$0xAF00] =	vst v63  }
0x3d: {  	_ =	swait.ge [sflag:s9], $0x800  }
0x3e: {  	[sflag:s9] =	ssyncset.done $0x0  }
0x3f: {  	[sflag:s9] =	ssyncadd.s32 $0xFFFFF800  }
0x40: {  	[spmem:s24] =	stream.linear.scatter [tilespmem:s5], [sflag:$0x1], $0x800, $0x38;
	[tilespmem:$0xAF00] =	vst v63  }
0x41: {  	_ =	swait.ge [sflag:s10], $0x800  }
0x42: {  	[sflag:s10] =	ssyncset.done $0x0  }
0x43: {  	s23 =	rddreg [dreg:$0x8];
	[sflag:s10] =	ssyncadd.s32 $0xFFFFF800  }
0x44: {  	[tilespmem:s5], [sflag:$0x3] =	stream.linear.gather [hbm4b:s23+s4], $0x800, $0x38;
	[tilespmem:$0xAF00] =	vst v63  }
0x45: {  	_ =	swait.ge [sflag:s11], $0x800  }
0x46: {  	[sflag:s11] =	ssyncset.done $0x0  }
0x47: {  	[sflag:s11] =	ssyncadd.s32 $0xFFFFF800  }
0x48: {  	[spmem:s26] =	stream.linear.scatter [tilespmem:s8], [sflag:$0x2], $0x800, $0x38;
	[tilespmem:$0xAF00] =	vst v63  }
0x49: {  	_ =	swait.ge [sflag:s9], $0x800  }
0x4a: {  	[sflag:s9] =	ssyncset.done $0x0  }
0x4b: {  	[sflag:s9] =	ssyncadd.s32 $0xFFFFF800  }
0x4c: {  	[spmem:s29] =	stream.linear.scatter [tilespmem:s5], [sflag:$0x1], $0x800, $0x38;
	[tilespmem:$0xAF00] =	vst v63  }
0x4d: {  	_ =	swait.ge [sflag:s10], $0x800  }
0x4e: {  	[sflag:s10] =	ssyncset.done $0x0  }
0x4f: {  	[sflag:s10] =	ssyncadd.s32 $0xFFFFF800  }
0x50: {  	_ =	swait.ge [sflag:s12], $0x800  }
0x51: {  	[sflag:s12] =	ssyncset.done $0x0  }
0x52: {  	[sflag:s12] =	ssyncadd.s32 $0xFFFFF800  }
0x53: {  	_ =	swait.ge [sflag:s13], $0x2700  }
0x54: {  	[sflag:s13] =	ssyncset.done $0x0  }
0x55: {  	[sflag:s13] =	ssyncadd.s32 $0xFFFFD900  }
0x56: {  	_ =	swait.ge [sflag:s14], $0x2700  }
0x57: {  	s18 =	simm.s32 @p0 $0x0;
	[sflag:s14] =	ssyncset.done $0x0  }
0x58: {  	s20 =	simm.s32 @p0 $0x2700;
	s21 =	rddreg [dreg:$0xf];
	[sflag:s14] =	ssyncadd.s32 $0xFFFFD900  }
0x59: {  	[tilespmem:s20], [sflag:$0x7] =	stream.linear.gather @p0 [hbm4b:s21+s18], $0x80, $0x38;
	[tilespmem:$0xAF00] =	vst v63  }
0x5a: {  	s20 =	simm.s32 @p0 $0x7  }
0x5b: {  	_ =	swait.ge @p0 [sflag:s20], $0x80  }
0x5c: {  	[sflag:s20] =	ssyncset.done @p0 $0x0  }
0x5d: {  	s21 =	simm.s32 @p0 $0x4E80;
	s23 =	rddreg [dreg:$0x10];
	[sflag:s20] =	ssyncadd.s32 @p0 $0xFFFFFF80  }
0x5e: {  	[tilespmem:s21], [sflag:$0x7] =	stream.linear.gather @p0 [hbm4b:s23+s18], $0x80, $0x38;
	[tilespmem:$0xAF00] =	vst v63  }
0x5f: {  	_ =	swait.ge @p0 [sflag:s20], $0x80  }
0x60: {  	[sflag:s20] =	ssyncset.done @p0 $0x0  }
0x61: {  	s18 =	simm.s32 $0x40;
	[sflag:s20] =	ssyncadd.s32 @p0 $0xFFFFFF80;
	s20 =	simm.s32 $0x0  }
.LBB2_2:
0x62: {  	p2 =	seq.s32 s18, $0x1FC0;
	[tilespmem:s20+$0x4F00] =	vst v0;
	s20 =	smov.u32 s18;
	s18 =	sadd.s32 $0x40, s18  }
.Ltmp0:
0x63: {  	(pc) =	sbr.rel @!p2 .LBB2_2-.Ltmp0, $2  }
0x64: {  	_ =	sdelay $0x2  }
0x65: {  	s20 =	sshra.s32 s20, $0x2  }
0x66: {  	[tilespmem:s20+$0x4F00] =	vst v0  }
0x67: {  	[spmem:s19] =	stream.linear.scatter [tilespmem:s5], [sflag:$0x7], $0x800, $0x38;
	[tilespmem:$0xAF00] =	vst v63  }
0x68: {  	_ =	swait.ge [sflag:s15], $0x800  }
0x69: {  	[sflag:s15] =	ssyncset.done $0x0  }
0x6a: {  	[sflag:s15] =	ssyncadd.s32 $0xFFFFF800  }
0x6b: {  	[spmem:s0] =	stream.linear.scatter [tilespmem:s5], [sflag:$0x7], $0x800, $0x38;
	[tilespmem:$0xAF00] =	vst v63  }
0x6c: {  	_ =	swait.ge [sflag:s15], $0x800  }
0x6d: {  	[sflag:s15] =	ssyncset.done $0x0  }
0x6e: {  	[sflag:s15] =	ssyncadd.s32 $0xFFFFF800  }
0x6f: {  	[spmem:s3] =	stream.linear.scatter [tilespmem:s5], [sflag:$0x7], $0x800, $0x38;
	[tilespmem:$0xAF00] =	vst v63  }
0x70: {  	_ =	swait.ge [sflag:s15], $0x800  }
0x71: {  	[sflag:s15] =	ssyncset.done $0x0  }
0x72: {  	[sflag:s15] =	ssyncadd.s32 $0xFFFFF800  }
0x73: {  	[spmem:s6] =	stream.linear.scatter [tilespmem:s5], [sflag:$0x7], $0x800, $0x38;
	[tilespmem:$0xAF00] =	vst v63  }
0x74: {  	_ =	swait.ge [sflag:s15], $0x800  }
0x75: {  	[sflag:s15] =	ssyncset.done $0x0  }
0x76: {  	[sflag:s15] =	ssyncadd.s32 $0xFFFFF800  }
0x77: {  	[spmem:s7] =	stream.linear.scatter [tilespmem:s5], [sflag:$0x7], $0x800, $0x38;
	[tilespmem:$0xAF00] =	vst v63  }
0x78: {  	_ =	swait.ge [sflag:s15], $0x800  }
0x79: {  	[sflag:s15] =	ssyncset.done $0x0  }
0x7a: {  	[sflag:s15] =	ssyncadd.s32 $0xFFFFF800  }
0x7b: {  	s18 =	simm.s32 $0x0;
	[bflag:$0x0] =	sbarrier.arrive $0xFFFF  }
0x7c: {  	[tilespmem:s5], [sflag:$0x1] =	stream.indirect.gather [spmem:s1], $0x10, s18, s16, $0xb8;
	[tilespmem:$0xAF00] =	vst v63  }
0x7d: {  	_ = 	snop  }
0x7e: {  	[tilespmem:s8], [sflag:$0x2] =	stream.indirect.gather [spmem:s1], $0x10, s16, s16, $0xb8;
	[tilespmem:$0xAF00] =	vst v63  }
0x7f: {  	_ =	swait.ge [sflag:s10], $0x800  }
0x80: {  	[sflag:s10] =	ssyncset.done $0x0  }
0x81: {  	s20 =	simm.s32 $0x2780;
	[sflag:s10] =	ssyncadd.s32 $0xFFFFF800  }
0x82: {  	[spmem:s2] =	stream.indirect.scatter.add.f32 [tilespmem:s5], [sflag:$0x3], $0x10, s20, s16, $0xb8;
	[tilespmem:$0xAF00] =	vst v63  }
0x83: {  	_ =	swait.ge [sflag:s12], $0x800  }
0x84: {  	[sflag:s12] =	ssyncset.done $0x0  }
0x85: {  	s21 =	simm.s32 $0x2800;
	[sflag:s12] =	ssyncadd.s32 $0xFFFFF800  }
0x86: {  	[spmem:s2] =	stream.indirect.scatter.add.f32 [tilespmem:s8], [sflag:$0x4], $0x10, s21, s16, $0xb8;
	[tilespmem:$0xAF00] =	vst v63  }
0x87: {  	_ =	swait.ge [sflag:s9], $0x800  }
0x88: {  	[sflag:s9] =	ssyncset.done $0x0  }
0x89: {  	s23 =	simm.s32 $0x100;
	[sflag:s9] =	ssyncadd.s32 $0xFFFFF800  }
0x8a: {  	[tilespmem:s5], [sflag:$0x1] =	stream.indirect.gather [spmem:s1], $0x10, s23, s16, $0xb8;
	[tilespmem:$0xAF00] =	vst v63  }
0x8b: {  	_ =	swait.ge [sflag:s11], $0x800  }
0x8c: {  	[sflag:s11] =	ssyncset.done $0x0  }
0x8d: {  	s18 =	simm.s32 $0x400;
	s20 =	simm.s32 $0x180;
	[sflag:s11] =	ssyncadd.s32 $0xFFFFF800  }
.LBB2_4:
0x8e: {  	[tilespmem:s8], [sflag:$0x2] =	stream.indirect.gather [spmem:s1], $0x10, s20, s16, $0xb8;
	[tilespmem:$0xAF00] =	vst v63  }
0x8f: {  	s20 =	smov.u32 s18  }
0x90: {  	p2 =	sne.s32 s18, $0x9400;
	s18 =	sadd.s32 $0x400, s18;
	_ =	swait.ge [sflag:s10], $0x800  }
0x91: {  	s20 =	sshra.s32 s20, $0x2;
	[sflag:s10] =	ssyncset.done $0x0  }
0x92: {  	s21 =	sadd.s32 $0x2780, s20;
	[sflag:s10] =	ssyncadd.s32 $0xFFFFF800  }
0x93: {  	[spmem:s2] =	stream.indirect.scatter.add.f32 [tilespmem:s5], [sflag:$0x3], $0x10, s21, s16, $0xb8;
	[tilespmem:$0xAF00] =	vst v63  }
0x94: {  	_ =	swait.ge [sflag:s12], $0x800  }
0x95: {  	[sflag:s12] =	ssyncset.done $0x0  }
0x96: {  	s21 =	sadd.s32 $0x2800, s20;
	[sflag:s12] =	ssyncadd.s32 $0xFFFFF800  }
0x97: {  	[spmem:s2] =	stream.indirect.scatter.add.f32 [tilespmem:s8], [sflag:$0x4], $0x10, s21, s16, $0xb8;
	[tilespmem:$0xAF00] =	vst v63  }
0x98: {  	_ =	swait.ge [sflag:s9], $0x800  }
0x99: {  	[sflag:s9] =	ssyncset.done $0x0  }
.Ltmp1:
0x9a: {  	s21 =	sadd.s32 $0x100, s20;
	[sflag:s9] =	ssyncadd.s32 $0xFFFFF800;
	(pc) =	sbr.rel @p2 .LBB2_4-.Ltmp1, $4  }
0x9b: {  	[tilespmem:s5], [sflag:$0x1] =	stream.indirect.gather [spmem:s1], $0x10, s21, s16, $0xb8;
	[tilespmem:$0xAF00] =	vst v63  }
0x9c: {  	_ =	swait.ge [sflag:s11], $0x800  }
0x9d: {  	[sflag:s11] =	ssyncset.done $0x0  }
0x9e: {  	s20 =	sadd.s32 $0x180, s20;
	[sflag:s11] =	ssyncadd.s32 $0xFFFFF800  }
0x9f: {  	[tilespmem:s8], [sflag:$0x2] =	stream.indirect.gather [spmem:s1], $0x10, s20, s16, $0xb8;
	[tilespmem:$0xAF00] =	vst v63  }
0xa0: {  	_ =	swait.ge [sflag:s10], $0x800  }
0xa1: {  	[sflag:s10] =	ssyncset.done $0x0  }
0xa2: {  	s18 =	simm.s32 $0x4D80;
	[sflag:s10] =	ssyncadd.s32 $0xFFFFF800  }
0xa3: {  	[spmem:s2] =	stream.indirect.scatter.add.f32 [tilespmem:s5], [sflag:$0x3], $0x10, s18, s16, $0xb8;
	[tilespmem:$0xAF00] =	vst v63  }
0xa4: {  	_ =	swait.ge [sflag:s12], $0x800  }
0xa5: {  	[sflag:s12] =	ssyncset.done $0x0  }
0xa6: {  	s20 =	simm.s32 $0x4E00;
	[sflag:s12] =	ssyncadd.s32 $0xFFFFF800  }
0xa7: {  	[spmem:s2] =	stream.indirect.scatter.add.f32 [tilespmem:s8], [sflag:$0x4], $0x10, s20, s16, $0xb8;
	[tilespmem:$0xAF00] =	vst v63  }
0xa8: {  	_ =	swait.ge [sflag:s9], $0x800  }
0xa9: {  	[sflag:s9] =	ssyncset.done $0x0  }
0xaa: {  	[sflag:s9] =	ssyncadd.s32 $0xFFFFF800  }
0xab: {  	_ =	swait.ge [sflag:s11], $0x800  }
0xac: {  	s21 =	simm.s32 @!p1 $0x4F00;
	[sflag:s11] =	ssyncset.done $0x0  }
0xad: {  	s18 =	simm.s32 @!p1 $0x80;
	s20 =	simm.s32 @!p1 $0x2700;
	[sflag:s11] =	ssyncadd.s32 $0xFFFFF800  }
0xae: {  	[tilespmem:s21], [sflag:$0x1] =	stream.indirect.gather @!p1 [spmem:s1], $0x10, s20, s18, $0xb8;
	[tilespmem:$0xAF00] =	vst v63  }
0xaf: {  	s20 =	simm.s32 @!p1 $0x1  }
0xb0: {  	_ =	swait.ge @!p1 [sflag:s20], $0x800  }
0xb1: {  	[sflag:s20] =	ssyncset.done @!p1 $0x0  }
0xb2: {  	[sflag:s20] =	ssyncadd.s32 @!p1 $0xFFFFF800;
	s20 =	simm.s32 @!p1 $0x4E80  }
0xb3: {  	[spmem:s2] =	stream.indirect.scatter.add.f32 @!p1 [tilespmem:s21], [sflag:$0x7], $0x10, s20, s18, $0xb8;
	[tilespmem:$0xAF00] =	vst v63  }
0xb4: {  	s18 =	simm.s32 @!p1 $0x7  }
0xb5: {  	_ =	swait.ge @!p1 [sflag:s18], $0x800  }
0xb6: {  	[sflag:s18] =	ssyncset.done @!p1 $0x0  }
0xb7: {  	[sflag:s18] =	ssyncadd.s32 @!p1 $0xFFFFF800  }
0xb8: {  	[bflag:$0x0] =	sbarrier.arrive $0xFFFF  }
0xb9: {  	s21 =	rddreg [dreg:$0x11]  }
0xba: {  	[tilespmem:s5], [sflag:$0x7] =	stream.linear.gather [spmem:s21], $0x800, $0x38;
	[tilespmem:$0xAF00] =	vst v63  }
0xbb: {  	_ =	swait.ge [sflag:s15], $0x800  }
0xbc: {  	[sflag:s15] =	ssyncset.done $0x0  }
0xbd: {  	s23 =	rddreg [dreg:$0x9];
	[sflag:s15] =	ssyncadd.s32 $0xFFFFF800  }
0xbe: {  	[hbm4b:s23+s4] =	stream.linear.scatter [tilespmem:s5], [sflag:$0x7], $0x800, $0x38;
	[tilespmem:$0xAF00] =	vst v63  }
0xbf: {  	_ =	swait.ge [sflag:s15], $0x800  }
0xc0: {  	[sflag:s15] =	ssyncset.done $0x0  }
0xc1: {  	s20 =	rddreg [dreg:$0x14];
	[sflag:s15] =	ssyncadd.s32 $0xFFFFF800  }
0xc2: {  	[tilespmem:s5], [sflag:$0x7] =	stream.linear.gather [spmem:s20], $0x800, $0x38;
	[tilespmem:$0xAF00] =	vst v63  }
0xc3: {  	_ =	swait.ge [sflag:s15], $0x800  }
0xc4: {  	[sflag:s15] =	ssyncset.done $0x0  }
0xc5: {  	s21 =	rddreg [dreg:$0xa];
	[sflag:s15] =	ssyncadd.s32 $0xFFFFF800  }
0xc6: {  	[hbm4b:s21+s4] =	stream.linear.scatter [tilespmem:s5], [sflag:$0x7], $0x800, $0x38;
	[tilespmem:$0xAF00] =	vst v63  }
0xc7: {  	_ =	swait.ge [sflag:s15], $0x800  }
0xc8: {  	[sflag:s15] =	ssyncset.done $0x0  }
0xc9: {  	[sflag:s15] =	ssyncadd.s32 $0xFFFFF800  }
0xca: {  	[tilespmem:s5], [sflag:$0x7] =	stream.linear.gather [spmem:s25], $0x800, $0x38;
	[tilespmem:$0xAF00] =	vst v63  }
0xcb: {  	_ =	swait.ge [sflag:s15], $0x800  }
0xcc: {  	[sflag:s15] =	ssyncset.done $0x0  }
0xcd: {  	s23 =	rddreg [dreg:$0xb];
	[sflag:s15] =	ssyncadd.s32 $0xFFFFF800  }
0xce: {  	[hbm4b:s23+s4] =	stream.linear.scatter [tilespmem:s5], [sflag:$0x7], $0x800, $0x38;
	[tilespmem:$0xAF00] =	vst v63  }
0xcf: {  	_ =	swait.ge [sflag:s15], $0x800  }
0xd0: {  	[sflag:s15] =	ssyncset.done $0x0  }
0xd1: {  	[sflag:s15] =	ssyncadd.s32 $0xFFFFF800  }
0xd2: {  	[tilespmem:s5], [sflag:$0x7] =	stream.linear.gather [spmem:s28], $0x800, $0x38;
	[tilespmem:$0xAF00] =	vst v63  }
0xd3: {  	_ =	swait.ge [sflag:s15], $0x800  }
0xd4: {  	[sflag:s15] =	ssyncset.done $0x0  }
0xd5: {  	s20 =	rddreg [dreg:$0xc];
	[sflag:s15] =	ssyncadd.s32 $0xFFFFF800  }
0xd6: {  	[hbm4b:s20+s4] =	stream.linear.scatter [tilespmem:s5], [sflag:$0x7], $0x800, $0x38;
	[tilespmem:$0xAF00] =	vst v63  }
0xd7: {  	_ =	swait.ge [sflag:s15], $0x800  }
0xd8: {  	[sflag:s15] =	ssyncset.done $0x0  }
0xd9: {  	[sflag:s15] =	ssyncadd.s32 $0xFFFFF800  }
0xda: {  	[tilespmem:s5], [sflag:$0x7] =	stream.linear.gather [spmem:s30], $0x800, $0x38;
	[tilespmem:$0xAF00] =	vst v63  }
0xdb: {  	_ =	swait.ge [sflag:s15], $0x800  }
0xdc: {  	[sflag:s15] =	ssyncset.done $0x0  }
0xdd: {  	s21 =	rddreg [dreg:$0xd];
	[sflag:s15] =	ssyncadd.s32 $0xFFFFF800  }
0xde: {  	[hbm4b:s21+s4] =	stream.linear.scatter [tilespmem:s5], [sflag:$0x7], $0x800, $0x38;
	[tilespmem:$0xAF00] =	vst v63  }
0xdf: {  	_ =	swait.ge [sflag:s15], $0x800  }
0xe0: {  	s17 =	sadd.s32 $0x1, s17;
	s23 =	rddreg [dreg:$0x12]  }
0xe1: {  	p2 =	sne.s32 s17, s23  }
.Ltmp2:
0xe2: {  	_ = 	snop;
	(pc) =	sbr.rel @p2 .LBB2_1-.Ltmp2, $3  }
0xe3: {  	_ =	sdelay $0x1  }
0xe4: {  	[sflag:s15] =	ssyncset.done $0x0  }
0xe5: {  	[sflag:s15] =	ssyncadd.s32 $0xFFFFF800  }
0xe6: {  	_ =	sfence.sel $0x180000  }
0xe7: {  	[bflag:$0x0] =	sbarrier.arrive $0xFFFF  }
0xe8: {  	_ =	strace $0x90000047  }
0xe9: {  	s0 =	stileid.u32;
	[bflag:$0x2] =	sbarrier.arrive $0xFFFF  }
0xea: {  	p0 =	sne.s32 s0, $0x0;
	s0 =	rddreg [dreg:$0x3]  }
0xeb: {  	s0 =	sadd.s32 @!p0 $0x100000, s0  }
0xec: {  	[sflag:s0] =	ssyncadd.tile.s32 @!p0 $0x1;
	_ =	shalt  }
.Lfunc_end2:
_tile_overlayer_lowered:
.L_overlay_start_2:
0xed: {  	(tag) =	ssettag $0x2  }
0xee: {  	s0 =	rddreg [dreg:$0x0];
	s2 =	stileid.u32  }
0xef: {  	s1 =	rddreg [dreg:$0x1];
	p0 =	sne.s32 s2, $0x0  }
0xf0: {  	s3 =	rddreg [dreg:$0x2];
	[bflag:$0x3] =	sbarrier.arrive $0xFFFF;
	s2 =	simm.s32 @!p0 $0x1C07  }
0xf1: {  	[timem:s3], [sflag:s2] =	dma.local @!p0 [hbm:s0], s1  }
0xf2: {  	s0 =	simm.s32 @!p0 $0x7  }
0xf3: {  	_ =	swait.ge @!p0 [sflag:s0], s1  }
0xf4: {  	s1 =	ssub.s32 @!p0 $0x0, s1;
	[sflag:s0] =	ssyncset.done @!p0 $0x0  }
0xf5: {  	[sflag:s0] =	ssyncadd.s32 @!p0 s1  }
0xf6: {  	[bflag:$0x3] =	sbarrier.arrive $0xFFFF  }
0xf7: {  	_ =	shalt  }

</sc_bundles>
